<compile_context>
chip_gen: v7x
topology: tpu7x:2x2x1
jax: 0.10.2.dev20260603
libtpu: 0.0.44.dev20260713+nightly
codegen_flags: <defaults>
</compile_context>

<pallas_src>
import functools

import jax
import jax.numpy as jnp
from jax import lax
from jax.experimental import pallas as pl
from jax.experimental.pallas import tpu as pltpu
from jax.experimental.pallas import tpu_sc as plsc

_B = 1024
_D = 1024
_N_POP = 256
_T = 256
_TAU = 10.0
_SCALE = _T * _TAU / (_TAU + 1.0)

_NC = 2
_NS = 16
_NW = _NC * _NS
_HALF_WORDS = (_T // 2) * _N_POP
_PAD = 16
_ITEMS = 2 * _B
_IPW = _ITEMS // _NW


def _offsets_body(x_ref, w_ref, b_ref, off_ref):
    z = jnp.dot(x_ref[...], w_ref[...], preferred_element_type=jnp.float32)
    intensity = jax.nn.sigmoid(z + b_ref[...])
    st = jnp.clip(((1.0 - intensity) * _SCALE).astype(jnp.int32), 0, _T - 1)
    n_iota = lax.broadcasted_iota(jnp.int32, (_B, _N_POP), 1)
    pad = _HALF_WORDS + (n_iota & 15)
    in0 = st < (_T // 2)
    off0 = jnp.where(in0, st * _N_POP + n_iota, pad)
    off1 = jnp.where(in0, pad, (st - (_T // 2)) * _N_POP + n_iota)
    off_ref[...] = jnp.stack([off0, off1], axis=1)


def _sc_body(off_ref, out_ref, blk_a, blk_b, idx_v, sem_a, sem_b):
    c = lax.axis_index("c")
    s = lax.axis_index("s")
    base = (s * _NC + c) * _IPW

    zeros16 = jnp.zeros((16,), jnp.float32)
    ones16 = jnp.ones((16,), jnp.float32)

    pltpu.sync_copy(off_ref.at[pl.ds(base * _N_POP, _IPW * _N_POP)], idx_v)

    def memset(blk):
        def body(i, carry):
            blk[pl.ds(i * 16, 16)] = zeros16
            return carry
        lax.fori_loop(0, (_HALF_WORDS + _PAD) // 16, body, 0)

    memset(blk_a)
    memset(blk_b)

    def scatter(blk, kk, val16):
        for j in range(_N_POP // 16):
            ix = idx_v[pl.ds(kk * _N_POP + j * 16, 16)]
            plsc.store_scatter(blk, [ix], val16)

    def fire(blk, kk, sem):
        return pltpu.async_copy(
            blk.at[pl.ds(0, _HALF_WORDS)], out_ref.at[base + kk], sem)

    scatter(blk_a, 0, ones16)
    fire(blk_a, 0, sem_a)
    scatter(blk_b, 1, ones16)
    fire(blk_b, 1, sem_b)

    def loop(i, carry):
        ka, kb = 2 * i, 2 * i + 1
        pltpu.make_async_copy(
            blk_a.at[pl.ds(0, _HALF_WORDS)], out_ref.at[base + ka - 2], sem_a
        ).wait()
        scatter(blk_a, ka - 2, zeros16)
        scatter(blk_a, ka, ones16)
        fire(blk_a, ka, sem_a)
        pltpu.make_async_copy(
            blk_b.at[pl.ds(0, _HALF_WORDS)], out_ref.at[base + kb - 2], sem_b
        ).wait()
        scatter(blk_b, kb - 2, zeros16)
        scatter(blk_b, kb, ones16)
        fire(blk_b, kb, sem_b)
        return carry

    lax.fori_loop(1, _IPW // 2, loop, 0)

    pltpu.make_async_copy(
        blk_a.at[pl.ds(0, _HALF_WORDS)], out_ref.at[base + _IPW - 2], sem_a
    ).wait()
    pltpu.make_async_copy(
        blk_b.at[pl.ds(0, _HALF_WORDS)], out_ref.at[base + _IPW - 1], sem_b
    ).wait()


@functools.partial(jax.jit)
def kernel(x, W, b):
    wt = W.T
    b2 = b.reshape(1, _N_POP)
    offs = pl.pallas_call(
        _offsets_body,
        grid=(1,),
        in_specs=[
            pl.BlockSpec((_B, _D), lambda i: (0, 0)),
            pl.BlockSpec((_D, _N_POP), lambda i: (0, 0)),
            pl.BlockSpec((1, _N_POP), lambda i: (0, 0)),
        ],
        out_specs=pl.BlockSpec((_B, 2, _N_POP), lambda i: (0, 0, 0)),
        out_shape=jax.ShapeDtypeStruct((_B, 2, _N_POP), jnp.int32),
    )(x, wt, b2)

    sc = pl.kernel(
        _sc_body,
        out_type=jax.ShapeDtypeStruct((_ITEMS, _HALF_WORDS), jnp.float32),
        mesh=plsc.VectorSubcoreMesh(core_axis_name="c", subcore_axis_name="s"),
        scratch_types=[
            pltpu.VMEM((_HALF_WORDS + _PAD,), jnp.float32),
            pltpu.VMEM((_HALF_WORDS + _PAD,), jnp.float32),
            pltpu.VMEM((_IPW * _N_POP,), jnp.int32),
            pltpu.SemaphoreType.DMA,
            pltpu.SemaphoreType.DMA,
        ],
        compiler_params=pltpu.CompilerParams(needs_layout_passes=False),
    )
    flat = sc(offs.reshape(_ITEMS * _N_POP))
    return flat.reshape(_B, _T, _N_POP)

# --- scband reference (transcript-rebuilt; emitter-appended) ---
"""Pipeline reference for scband-latency-encoder-21741124453049 (READ-ONLY COPY).

The authoritative reference and input builder live on the scoring server;
editing this copy changes nothing except your own understanding.
"""

import jax, jax.numpy as jnp
import numpy as np

B = 1024
D = 1024
N_POP = 256
T = 256
TAU = 10.0


def setup_inputs(seed: int = 0) -> dict:
    key = jax.random.key(seed)
    k1, k2, k3 = jax.random.split(key, 3)
    x = jax.random.normal(k1, (B, D), dtype=jnp.float32)
    bound = 1.0 / np.sqrt(D)
    W = jax.random.uniform(k2, (N_POP, D), dtype=jnp.float32, minval=-bound, maxval=bound)
    b = jax.random.uniform(k3, (N_POP,), dtype=jnp.float32, minval=-bound, maxval=bound)
    return {"x": x, "W": W, "b": b}


def reference(x, W, b):
    # x: [B, d_model] (3-D path reduces over seq; here we use the 2-D path)
    intensity = jax.nn.sigmoid(x @ W.T + b)  # [B, N_pop]
    spike_times = ((1.0 - intensity) * T * TAU / (TAU + 1.0)).astype(jnp.int32)
    spike_times = jnp.clip(spike_times, 0, T - 1)
    batch, n_pop = intensity.shape
    batch_idx = jnp.broadcast_to(jnp.arange(batch)[:, None], (batch, n_pop))
    neuron_idx = jnp.broadcast_to(jnp.arange(n_pop)[None, :], (batch, n_pop))
    spikes = jnp.zeros((batch, T, n_pop), dtype=jnp.float32)
    spikes = spikes.at[batch_idx, spike_times, neuron_idx].set(1.0)
    return spikes

if __name__ == "__main__":
    import jax
    _d = setup_inputs()
    print(jax.jit(kernel)(*tuple(_d.values())))

</pallas_src>

<mosaic_0001>
#map = affine_map<(d0, d1) -> (0)>
#map1 = affine_map<(d0, d1) -> (0, 0)>
module attributes {stable_mosaic.version = 14 : i64} {
  func.func @_sc_body(%arg0: i32, %arg1: i32, %arg2: memref<524288xi32, #tpu.memory_space<hbm>>, %arg3: memref<2048x32768xf32, #tpu.memory_space<hbm>>, %arg4: memref<32784xf32, #tpu.memory_space<vmem>>, %arg5: memref<32784xf32, #tpu.memory_space<vmem>>, %arg6: memref<16384xi32, #tpu.memory_space<vmem>>, %arg7: memref<!tpu.dma_semaphore, #tpu.memory_space<semaphore_mem>>, %arg8: memref<!tpu.dma_semaphore, #tpu.memory_space<semaphore_mem>>) attributes {dimension_semantics = [#tpu.dimension_semantics<core_parallel>, #tpu.dimension_semantics<subcore_parallel>], iteration_bounds = array<i64: 2, 16>, scalar_prefetch = 0 : i64, scratch_operands = 5 : i64, tpu.core_type = #tpu.core_type<sc_vector_subcore>, window_params = [{transform_indices = #map}, {transform_indices = #map1}]} {
    %mul3A = arith.constant 2 : i32
    %mul3A_0 = arith.muli %arg1, %mul3A : i32
    %add3A = arith.addi %mul3A_0, %arg0 : i32
    %mul3A_1 = arith.constant 64 : i32
    %mul3A_2 = arith.muli %add3A, %mul3A_1 : i32
    %broadcast_in_dim3A = arith.constant 0.000000e+00 : f32
    %broadcast_in_dim3A_3 = vector.broadcast %broadcast_in_dim3A : f32 to vector<16xf32>
    %broadcast_in_dim3A_4 = arith.constant 1.000000e+00 : f32
    %broadcast_in_dim3A_5 = vector.broadcast %broadcast_in_dim3A_4 : f32 to vector<16xf32>
    %mul3A_6 = arith.constant 256 : i32
    %mul3A_7 = arith.muli %mul3A_2, %mul3A_6 : i32
    "tpu.region"() ({
      %run_scoped3A = tpu.sem_alloc : memref<!tpu.dma_semaphore, #tpu.memory_space<semaphore_mem>>
      %dma_start3A_137 = tpu.memref_slice %arg2[%mul3A_7] : memref<524288xi32, #tpu.memory_space<hbm>> -> memref<16384xi32, #tpu.memory_space<hbm>>
      %dma_start3A_138 = tpu.memref_slice %arg2[%mul3A_7] : memref<524288xi32, #tpu.memory_space<hbm>> -> memref<16384xi32, #tpu.memory_space<hbm>>
      tpu.enqueue_dma source(%dma_start3A_138 : memref<16384xi32, #tpu.memory_space<hbm>>) target(%arg6 : memref<16384xi32, #tpu.memory_space<vmem>>) target_semaphore(%run_scoped3A : memref<!tpu.dma_semaphore, #tpu.memory_space<semaphore_mem>>)
      %dma_wait3A_139 = tpu.memref_slice %arg2[%mul3A_7] : memref<524288xi32, #tpu.memory_space<hbm>> -> memref<16384xi32, #tpu.memory_space<hbm>>
      %dma_wait3A_140 = tpu.memref_slice %arg2[%mul3A_7] : memref<524288xi32, #tpu.memory_space<hbm>> -> memref<16384xi32, #tpu.memory_space<hbm>>
      tpu.wait_dma2 semaphore(%run_scoped3A : memref<!tpu.dma_semaphore, #tpu.memory_space<semaphore_mem>>) src(%dma_wait3A_140 : memref<16384xi32, #tpu.memory_space<hbm>>) dst(%arg6 : memref<16384xi32, #tpu.memory_space<vmem>>)
      tpu.yield
    }) : () -> ()
    %scan3A = arith.constant 0 : i32
    %scan3A_8 = arith.constant 0 : i32
    %scan3A_9 = arith.constant 2049 : i32
    %scan3A_10 = arith.addi %scan3A_8, %scan3A_9 : i32
    %scan3A_11 = arith.constant 1 : i32
    scf.for %scan3A_137 = %scan3A_8 to %scan3A_10 step %scan3A_11  : i32 {
      %mul3A_138 = arith.constant 16 : i32
      %mul3A_139 = arith.muli %scan3A_137, %mul3A_138 : i32
      %swap3A = arith.index_cast %mul3A_139 : i32 to index
      %swap3A_140 = tpu.vector_load %arg4[%swap3A] {strides = array<i32>} : memref<32784xf32, #tpu.memory_space<vmem>>, vector<16xf32>,
      tpu.vector_store %arg4[%swap3A], %broadcast_in_dim3A_3 {strides = array<i32>} : memref<32784xf32, #tpu.memory_space<vmem>>, vector<16xf32>,
    }
    %scan3A_12 = arith.constant 2049 : i32
    %scan3A_13 = arith.constant 0 : i32
    %scan3A_14 = arith.constant 0 : i32
    %scan3A_15 = arith.constant 2049 : i32
    %scan3A_16 = arith.addi %scan3A_14, %scan3A_15 : i32
    %scan3A_17 = arith.constant 1 : i32
    scf.for %scan3A_137 = %scan3A_14 to %scan3A_16 step %scan3A_17  : i32 {
      %mul3A_138 = arith.constant 16 : i32
      %mul3A_139 = arith.muli %scan3A_137, %mul3A_138 : i32
      %swap3A = arith.index_cast %mul3A_139 : i32 to index
      %swap3A_140 = tpu.vector_load %arg5[%swap3A] {strides = array<i32>} : memref<32784xf32, #tpu.memory_space<vmem>>, vector<16xf32>,
      tpu.vector_store %arg5[%swap3A], %broadcast_in_dim3A_3 {strides = array<i32>} : memref<32784xf32, #tpu.memory_space<vmem>>, vector<16xf32>,
    }
    %scan3A_18 = arith.constant 2049 : i32
    %get3A = arith.constant 0 : index
    %get3A_19 = tpu.vector_load %arg6[%get3A] {strides = array<i32>} : memref<16384xi32, #tpu.memory_space<vmem>>, vector<16xi32>,
    tpu.vector_store_idx %arg4[%get3A_19], %broadcast_in_dim3A_5 : memref<32784xf32, #tpu.memory_space<vmem>>[vector<16xi32>], vector<16xf32>,
    %get3A_20 = arith.constant 16 : index
    %get3A_21 = tpu.vector_load %arg6[%get3A_20] {strides = array<i32>} : memref<16384xi32, #tpu.memory_space<vmem>>, vector<16xi32>,
    tpu.vector_store_idx %arg4[%get3A_21], %broadcast_in_dim3A_5 : memref<32784xf32, #tpu.memory_space<vmem>>[vector<16xi32>], vector<16xf32>,
    %get3A_22 = arith.constant 32 : index
    %get3A_23 = tpu.vector_load %arg6[%get3A_22] {strides = array<i32>} : memref<16384xi32, #tpu.memory_space<vmem>>, vector<16xi32>,
    tpu.vector_store_idx %arg4[%get3A_23], %broadcast_in_dim3A_5 : memref<32784xf32, #tpu.memory_space<vmem>>[vector<16xi32>], vector<16xf32>,
    %get3A_24 = arith.constant 48 : index
    %get3A_25 = tpu.vector_load %arg6[%get3A_24] {strides = array<i32>} : memref<16384xi32, #tpu.memory_space<vmem>>, vector<16xi32>,
    tpu.vector_store_idx %arg4[%get3A_25], %broadcast_in_dim3A_5 : memref<32784xf32, #tpu.memory_space<vmem>>[vector<16xi32>], vector<16xf32>,
    %get3A_26 = arith.constant 64 : index
    %get3A_27 = tpu.vector_load %arg6[%get3A_26] {strides = array<i32>} : memref<16384xi32, #tpu.memory_space<vmem>>, vector<16xi32>,
    tpu.vector_store_idx %arg4[%get3A_27], %broadcast_in_dim3A_5 : memref<32784xf32, #tpu.memory_space<vmem>>[vector<16xi32>], vector<16xf32>,
    %get3A_28 = arith.constant 80 : index
    %get3A_29 = tpu.vector_load %arg6[%get3A_28] {strides = array<i32>} : memref<16384xi32, #tpu.memory_space<vmem>>, vector<16xi32>,
    tpu.vector_store_idx %arg4[%get3A_29], %broadcast_in_dim3A_5 : memref<32784xf32, #tpu.memory_space<vmem>>[vector<16xi32>], vector<16xf32>,
    %get3A_30 = arith.constant 96 : index
    %get3A_31 = tpu.vector_load %arg6[%get3A_30] {strides = array<i32>} : memref<16384xi32, #tpu.memory_space<vmem>>, vector<16xi32>,
    tpu.vector_store_idx %arg4[%get3A_31], %broadcast_in_dim3A_5 : memref<32784xf32, #tpu.memory_space<vmem>>[vector<16xi32>], vector<16xf32>,
    %get3A_32 = arith.constant 112 : index
    %get3A_33 = tpu.vector_load %arg6[%get3A_32] {strides = array<i32>} : memref<16384xi32, #tpu.memory_space<vmem>>, vector<16xi32>,
    tpu.vector_store_idx %arg4[%get3A_33], %broadcast_in_dim3A_5 : memref<32784xf32, #tpu.memory_space<vmem>>[vector<16xi32>], vector<16xf32>,
    %get3A_34 = arith.constant 128 : index
    %get3A_35 = tpu.vector_load %arg6[%get3A_34] {strides = array<i32>} : memref<16384xi32, #tpu.memory_space<vmem>>, vector<16xi32>,
    tpu.vector_store_idx %arg4[%get3A_35], %broadcast_in_dim3A_5 : memref<32784xf32, #tpu.memory_space<vmem>>[vector<16xi32>], vector<16xf32>,
    %get3A_36 = arith.constant 144 : index
    %get3A_37 = tpu.vector_load %arg6[%get3A_36] {strides = array<i32>} : memref<16384xi32, #tpu.memory_space<vmem>>, vector<16xi32>,
    tpu.vector_store_idx %arg4[%get3A_37], %broadcast_in_dim3A_5 : memref<32784xf32, #tpu.memory_space<vmem>>[vector<16xi32>], vector<16xf32>,
    %get3A_38 = arith.constant 160 : index
    %get3A_39 = tpu.vector_load %arg6[%get3A_38] {strides = array<i32>} : memref<16384xi32, #tpu.memory_space<vmem>>, vector<16xi32>,
    tpu.vector_store_idx %arg4[%get3A_39], %broadcast_in_dim3A_5 : memref<32784xf32, #tpu.memory_space<vmem>>[vector<16xi32>], vector<16xf32>,
    %get3A_40 = arith.constant 176 : index
    %get3A_41 = tpu.vector_load %arg6[%get3A_40] {strides = array<i32>} : memref<16384xi32, #tpu.memory_space<vmem>>, vector<16xi32>,
    tpu.vector_store_idx %arg4[%get3A_41], %broadcast_in_dim3A_5 : memref<32784xf32, #tpu.memory_space<vmem>>[vector<16xi32>], vector<16xf32>,
    %get3A_42 = arith.constant 192 : index
    %get3A_43 = tpu.vector_load %arg6[%get3A_42] {strides = array<i32>} : memref<16384xi32, #tpu.memory_space<vmem>>, vector<16xi32>,
    tpu.vector_store_idx %arg4[%get3A_43], %broadcast_in_dim3A_5 : memref<32784xf32, #tpu.memory_space<vmem>>[vector<16xi32>], vector<16xf32>,
    %get3A_44 = arith.constant 208 : index
    %get3A_45 = tpu.vector_load %arg6[%get3A_44] {strides = array<i32>} : memref<16384xi32, #tpu.memory_space<vmem>>, vector<16xi32>,
    tpu.vector_store_idx %arg4[%get3A_45], %broadcast_in_dim3A_5 : memref<32784xf32, #tpu.memory_space<vmem>>[vector<16xi32>], vector<16xf32>,
    %get3A_46 = arith.constant 224 : index
    %get3A_47 = tpu.vector_load %arg6[%get3A_46] {strides = array<i32>} : memref<16384xi32, #tpu.memory_space<vmem>>, vector<16xi32>,
    tpu.vector_store_idx %arg4[%get3A_47], %broadcast_in_dim3A_5 : memref<32784xf32, #tpu.memory_space<vmem>>[vector<16xi32>], vector<16xf32>,
    %get3A_48 = arith.constant 240 : index
    %get3A_49 = tpu.vector_load %arg6[%get3A_48] {strides = array<i32>} : memref<16384xi32, #tpu.memory_space<vmem>>, vector<16xi32>,
    tpu.vector_store_idx %arg4[%get3A_49], %broadcast_in_dim3A_5 : memref<32784xf32, #tpu.memory_space<vmem>>[vector<16xi32>], vector<16xf32>,
    %add3A_50 = arith.constant 0 : i32
    %add3A_51 = arith.addi %mul3A_2, %add3A_50 : i32
    %dma_start3A = arith.constant 0 : i32
    %dma_start3A_52 = tpu.memref_slice %arg4[%dma_start3A] : memref<32784xf32, #tpu.memory_space<vmem>> -> memref<32768xf32, #tpu.memory_space<vmem>>
    %dma_start3A_53 = arith.constant 0 : i32
    %dma_start3A_54 = tpu.memref_slice %arg3[%add3A_51, %dma_start3A_53] : memref<2048x32768xf32, #tpu.memory_space<hbm>> -> memref<1x32768xf32, #tpu.memory_space<hbm>>
    %dma_start3A_55 = tpu.memref_squeeze %dma_start3A_54 : memref<1x32768xf32, #tpu.memory_space<hbm>> -> memref<32768xf32, #tpu.memory_space<hbm>>
    %dma_start3A_56 = arith.constant 0 : i32
    %dma_start3A_57 = tpu.memref_slice %arg3[%add3A_51, %dma_start3A_56] : memref<2048x32768xf32, #tpu.memory_space<hbm>> -> memref<1x32768xf32, #tpu.memory_space<hbm>>
    %dma_start3A_58 = tpu.memref_squeeze %dma_start3A_57 : memref<1x32768xf32, #tpu.memory_space<hbm>> -> memref<32768xf32, #tpu.memory_space<hbm>>
    %dma_start3A_59 = arith.constant 0 : i32
    %dma_start3A_60 = tpu.memref_slice %arg4[%dma_start3A_59] : memref<32784xf32, #tpu.memory_space<vmem>> -> memref<32768xf32, #tpu.memory_space<vmem>>
    tpu.enqueue_dma source(%dma_start3A_60 : memref<32768xf32, #tpu.memory_space<vmem>>) target(%dma_start3A_58 : memref<32768xf32, #tpu.memory_space<hbm>>) target_semaphore(%arg7 : memref<!tpu.dma_semaphore, #tpu.memory_space<semaphore_mem>>)
    %get3A_61 = arith.constant 256 : index
    %get3A_62 = tpu.vector_load %arg6[%get3A_61] {strides = array<i32>} : memref<16384xi32, #tpu.memory_space<vmem>>, vector<16xi32>,
    tpu.vector_store_idx %arg5[%get3A_62], %broadcast_in_dim3A_5 : memref<32784xf32, #tpu.memory_space<vmem>>[vector<16xi32>], vector<16xf32>,
    %get3A_63 = arith.constant 272 : index
    %get3A_64 = tpu.vector_load %arg6[%get3A_63] {strides = array<i32>} : memref<16384xi32, #tpu.memory_space<vmem>>, vector<16xi32>,
    tpu.vector_store_idx %arg5[%get3A_64], %broadcast_in_dim3A_5 : memref<32784xf32, #tpu.memory_space<vmem>>[vector<16xi32>], vector<16xf32>,
    %get3A_65 = arith.constant 288 : index
    %get3A_66 = tpu.vector_load %arg6[%get3A_65] {strides = array<i32>} : memref<16384xi32, #tpu.memory_space<vmem>>, vector<16xi32>,
    tpu.vector_store_idx %arg5[%get3A_66], %broadcast_in_dim3A_5 : memref<32784xf32, #tpu.memory_space<vmem>>[vector<16xi32>], vector<16xf32>,
    %get3A_67 = arith.constant 304 : index
    %get3A_68 = tpu.vector_load %arg6[%get3A_67] {strides = array<i32>} : memref<16384xi32, #tpu.memory_space<vmem>>, vector<16xi32>,
    tpu.vector_store_idx %arg5[%get3A_68], %broadcast_in_dim3A_5 : memref<32784xf32, #tpu.memory_space<vmem>>[vector<16xi32>], vector<16xf32>,
    %get3A_69 = arith.constant 320 : index
    %get3A_70 = tpu.vector_load %arg6[%get3A_69] {strides = array<i32>} : memref<16384xi32, #tpu.memory_space<vmem>>, vector<16xi32>,
    tpu.vector_store_idx %arg5[%get3A_70], %broadcast_in_dim3A_5 : memref<32784xf32, #tpu.memory_space<vmem>>[vector<16xi32>], vector<16xf32>,
    %get3A_71 = arith.constant 336 : index
    %get3A_72 = tpu.vector_load %arg6[%get3A_71] {strides = array<i32>} : memref<16384xi32, #tpu.memory_space<vmem>>, vector<16xi32>,
    tpu.vector_store_idx %arg5[%get3A_72], %broadcast_in_dim3A_5 : memref<32784xf32, #tpu.memory_space<vmem>>[vector<16xi32>], vector<16xf32>,
    %get3A_73 = arith.constant 352 : index
    %get3A_74 = tpu.vector_load %arg6[%get3A_73] {strides = array<i32>} : memref<16384xi32, #tpu.memory_space<vmem>>, vector<16xi32>,
    tpu.vector_store_idx %arg5[%get3A_74], %broadcast_in_dim3A_5 : memref<32784xf32, #tpu.memory_space<vmem>>[vector<16xi32>], vector<16xf32>,
    %get3A_75 = arith.constant 368 : index
    %get3A_76 = tpu.vector_load %arg6[%get3A_75] {strides = array<i32>} : memref<16384xi32, #tpu.memory_space<vmem>>, vector<16xi32>,
    tpu.vector_store_idx %arg5[%get3A_76], %broadcast_in_dim3A_5 : memref<32784xf32, #tpu.memory_space<vmem>>[vector<16xi32>], vector<16xf32>,
    %get3A_77 = arith.constant 384 : index
    %get3A_78 = tpu.vector_load %arg6[%get3A_77] {strides = array<i32>} : memref<16384xi32, #tpu.memory_space<vmem>>, vector<16xi32>,
    tpu.vector_store_idx %arg5[%get3A_78], %broadcast_in_dim3A_5 : memref<32784xf32, #tpu.memory_space<vmem>>[vector<16xi32>], vector<16xf32>,
    %get3A_79 = arith.constant 400 : index
    %get3A_80 = tpu.vector_load %arg6[%get3A_79] {strides = array<i32>} : memref<16384xi32, #tpu.memory_space<vmem>>, vector<16xi32>,
    tpu.vector_store_idx %arg5[%get3A_80], %broadcast_in_dim3A_5 : memref<32784xf32, #tpu.memory_space<vmem>>[vector<16xi32>], vector<16xf32>,
    %get3A_81 = arith.constant 416 : index
    %get3A_82 = tpu.vector_load %arg6[%get3A_81] {strides = array<i32>} : memref<16384xi32, #tpu.memory_space<vmem>>, vector<16xi32>,
    tpu.vector_store_idx %arg5[%get3A_82], %broadcast_in_dim3A_5 : memref<32784xf32, #tpu.memory_space<vmem>>[vector<16xi32>], vector<16xf32>,
    %get3A_83 = arith.constant 432 : index
    %get3A_84 = tpu.vector_load %arg6[%get3A_83] {strides = array<i32>} : memref<16384xi32, #tpu.memory_space<vmem>>, vector<16xi32>,
    tpu.vector_store_idx %arg5[%get3A_84], %broadcast_in_dim3A_5 : memref<32784xf32, #tpu.memory_space<vmem>>[vector<16xi32>], vector<16xf32>,
    %get3A_85 = arith.constant 448 : index
    %get3A_86 = tpu.vector_load %arg6[%get3A_85] {strides = array<i32>} : memref<16384xi32, #tpu.memory_space<vmem>>, vector<16xi32>,
    tpu.vector_store_idx %arg5[%get3A_86], %broadcast_in_dim3A_5 : memref<32784xf32, #tpu.memory_space<vmem>>[vector<16xi32>], vector<16xf32>,
    %get3A_87 = arith.constant 464 : index
    %get3A_88 = tpu.vector_load %arg6[%get3A_87] {strides = array<i32>} : memref<16384xi32, #tpu.memory_space<vmem>>, vector<16xi32>,
    tpu.vector_store_idx %arg5[%get3A_88], %broadcast_in_dim3A_5 : memref<32784xf32, #tpu.memory_space<vmem>>[vector<16xi32>], vector<16xf32>,
    %get3A_89 = arith.constant 480 : index
    %get3A_90 = tpu.vector_load %arg6[%get3A_89] {strides = array<i32>} : memref<16384xi32, #tpu.memory_space<vmem>>, vector<16xi32>,
    tpu.vector_store_idx %arg5[%get3A_90], %broadcast_in_dim3A_5 : memref<32784xf32, #tpu.memory_space<vmem>>[vector<16xi32>], vector<16xf32>,
    %get3A_91 = arith.constant 496 : index
    %get3A_92 = tpu.vector_load %arg6[%get3A_91] {strides = array<i32>} : memref<16384xi32, #tpu.memory_space<vmem>>, vector<16xi32>,
    tpu.vector_store_idx %arg5[%get3A_92], %broadcast_in_dim3A_5 : memref<32784xf32, #tpu.memory_space<vmem>>[vector<16xi32>], vector<16xf32>,
    %add3A_93 = arith.constant 1 : i32
    %add3A_94 = arith.addi %mul3A_2, %add3A_93 : i32
    %dma_start3A_95 = arith.constant 0 : i32
    %dma_start3A_96 = tpu.memref_slice %arg5[%dma_start3A_95] : memref<32784xf32, #tpu.memory_space<vmem>> -> memref<32768xf32, #tpu.memory_space<vmem>>
    %dma_start3A_97 = arith.constant 0 : i32
    %dma_start3A_98 = tpu.memref_slice %arg3[%add3A_94, %dma_start3A_97] : memref<2048x32768xf32, #tpu.memory_space<hbm>> -> memref<1x32768xf32, #tpu.memory_space<hbm>>
    %dma_start3A_99 = tpu.memref_squeeze %dma_start3A_98 : memref<1x32768xf32, #tpu.memory_space<hbm>> -> memref<32768xf32, #tpu.memory_space<hbm>>
    %dma_start3A_100 = arith.constant 0 : i32
    %dma_start3A_101 = tpu.memref_slice %arg3[%add3A_94, %dma_start3A_100] : memref<2048x32768xf32, #tpu.memory_space<hbm>> -> memref<1x32768xf32, #tpu.memory_space<hbm>>
    %dma_start3A_102 = tpu.memref_squeeze %dma_start3A_101 : memref<1x32768xf32, #tpu.memory_space<hbm>> -> memref<32768xf32, #tpu.memory_space<hbm>>
    %dma_start3A_103 = arith.constant 0 : i32
    %dma_start3A_104 = tpu.memref_slice %arg5[%dma_start3A_103] : memref<32784xf32, #tpu.memory_space<vmem>> -> memref<32768xf32, #tpu.memory_space<vmem>>
    tpu.enqueue_dma source(%dma_start3A_104 : memref<32768xf32, #tpu.memory_space<vmem>>) target(%dma_start3A_102 : memref<32768xf32, #tpu.memory_space<hbm>>) target_semaphore(%arg8 : memref<!tpu.dma_semaphore, #tpu.memory_space<semaphore_mem>>)
    %scan3A_105 = arith.constant 0 : i32
    %scan3A_106 = arith.constant 1 : i32
    %scan3A_107 = arith.constant 31 : i32
    %scan3A_108 = arith.addi %scan3A_106, %scan3A_107 : i32
    %scan3A_109 = arith.constant 1 : i32
    scf.for %scan3A_137 = %scan3A_106 to %scan3A_108 step %scan3A_109  : i32 {
      %mul3A_138 = arith.constant 2 : i32
      %mul3A_139 = arith.muli %mul3A_138, %scan3A_137 : i32
      %mul3A_140 = arith.constant 2 : i32
      %mul3A_141 = arith.muli %mul3A_140, %scan3A_137 : i32
      %add3A_142 = arith.constant 1 : i32
      %add3A_143 = arith.addi %mul3A_141, %add3A_142 : i32
      %add3A_144 = arith.addi %mul3A_2, %mul3A_139 : i32
      %sub3A_145 = arith.constant 2 : i32
      %sub3A_146 = arith.subi %add3A_144, %sub3A_145 : i32
      %dma_wait3A_147 = arith.constant 0 : i32
      %dma_wait3A_148 = tpu.memref_slice %arg4[%dma_wait3A_147] : memref<32784xf32, #tpu.memory_space<vmem>> -> memref<32768xf32, #tpu.memory_space<vmem>>
      %dma_wait3A_149 = arith.constant 0 : i32
      %dma_wait3A_150 = tpu.memref_slice %arg3[%sub3A_146, %dma_wait3A_149] : memref<2048x32768xf32, #tpu.memory_space<hbm>> -> memref<1x32768xf32, #tpu.memory_space<hbm>>
      %dma_wait3A_151 = tpu.memref_squeeze %dma_wait3A_150 : memref<1x32768xf32, #tpu.memory_space<hbm>> -> memref<32768xf32, #tpu.memory_space<hbm>>
      %dma_wait3A_152 = arith.constant 0 : i32
      %dma_wait3A_153 = tpu.memref_slice %arg3[%sub3A_146, %dma_wait3A_152] : memref<2048x32768xf32, #tpu.memory_space<hbm>> -> memref<1x32768xf32, #tpu.memory_space<hbm>>
      %dma_wait3A_154 = tpu.memref_squeeze %dma_wait3A_153 : memref<1x32768xf32, #tpu.memory_space<hbm>> -> memref<32768xf32, #tpu.memory_space<hbm>>
      %dma_wait3A_155 = arith.constant 0 : i32
      %dma_wait3A_156 = tpu.memref_slice %arg4[%dma_wait3A_155] : memref<32784xf32, #tpu.memory_space<vmem>> -> memref<32768xf32, #tpu.memory_space<vmem>>
      tpu.wait_dma2 semaphore(%arg7 : memref<!tpu.dma_semaphore, #tpu.memory_space<semaphore_mem>>) src(%dma_wait3A_156 : memref<32768xf32, #tpu.memory_space<vmem>>) dst(%dma_wait3A_154 : memref<32768xf32, #tpu.memory_space<hbm>>)
      %sub3A_157 = arith.constant 2 : i32
      %sub3A_158 = arith.subi %mul3A_139, %sub3A_157 : i32
      %mul3A_159 = arith.constant 256 : i32
      %mul3A_160 = arith.muli %sub3A_158, %mul3A_159 : i32
      %add3A_161 = arith.constant 0 : i32
      %add3A_162 = arith.addi %mul3A_160, %add3A_161 : i32
      %get3A_163 = arith.index_cast %add3A_162 : i32 to index
      %get3A_164 = tpu.vector_load %arg6[%get3A_163] {strides = array<i32>} : memref<16384xi32, #tpu.memory_space<vmem>>, vector<16xi32>,
      tpu.vector_store_idx %arg4[%get3A_164], %broadcast_in_dim3A_3 : memref<32784xf32, #tpu.memory_space<vmem>>[vector<16xi32>], vector<16xf32>,
      %mul3A_165 = arith.constant 256 : i32
      %mul3A_166 = arith.muli %sub3A_158, %mul3A_165 : i32
      %add3A_167 = arith.constant 16 : i32
      %add3A_168 = arith.addi %mul3A_166, %add3A_167 : i32
      %get3A_169 = arith.index_cast %add3A_168 : i32 to index
      %get3A_170 = tpu.vector_load %arg6[%get3A_169] {strides = array<i32>} : memref<16384xi32, #tpu.memory_space<vmem>>, vector<16xi32>,
      tpu.vector_store_idx %arg4[%get3A_170], %broadcast_in_dim3A_3 : memref<32784xf32, #tpu.memory_space<vmem>>[vector<16xi32>], vector<16xf32>,
      %mul3A_171 = arith.constant 256 : i32
      %mul3A_172 = arith.muli %sub3A_158, %mul3A_171 : i32
      %add3A_173 = arith.constant 32 : i32
      %add3A_174 = arith.addi %mul3A_172, %add3A_173 : i32
      %get3A_175 = arith.index_cast %add3A_174 : i32 to index
      %get3A_176 = tpu.vector_load %arg6[%get3A_175] {strides = array<i32>} : memref<16384xi32, #tpu.memory_space<vmem>>, vector<16xi32>,
      tpu.vector_store_idx %arg4[%get3A_176], %broadcast_in_dim3A_3 : memref<32784xf32, #tpu.memory_space<vmem>>[vector<16xi32>], vector<16xf32>,
      %mul3A_177 = arith.constant 256 : i32
      %mul3A_178 = arith.muli %sub3A_158, %mul3A_177 : i32
      %add3A_179 = arith.constant 48 : i32
      %add3A_180 = arith.addi %mul3A_178, %add3A_179 : i32
      %get3A_181 = arith.index_cast %add3A_180 : i32 to index
      %get3A_182 = tpu.vector_load %arg6[%get3A_181] {strides = array<i32>} : memref<16384xi32, #tpu.memory_space<vmem>>, vector<16xi32>,
      tpu.vector_store_idx %arg4[%get3A_182], %broadcast_in_dim3A_3 : memref<32784xf32, #tpu.memory_space<vmem>>[vector<16xi32>], vector<16xf32>,
      %mul3A_183 = arith.constant 256 : i32
      %mul3A_184 = arith.muli %sub3A_158, %mul3A_183 : i32
      %add3A_185 = arith.constant 64 : i32
      %add3A_186 = arith.addi %mul3A_184, %add3A_185 : i32
      %get3A_187 = arith.index_cast %add3A_186 : i32 to index
      %get3A_188 = tpu.vector_load %arg6[%get3A_187] {strides = array<i32>} : memref<16384xi32, #tpu.memory_space<vmem>>, vector<16xi32>,
      tpu.vector_store_idx %arg4[%get3A_188], %broadcast_in_dim3A_3 : memref<32784xf32, #tpu.memory_space<vmem>>[vector<16xi32>], vector<16xf32>,
      %mul3A_189 = arith.constant 256 : i32
      %mul3A_190 = arith.muli %sub3A_158, %mul3A_189 : i32
      %add3A_191 = arith.constant 80 : i32
      %add3A_192 = arith.addi %mul3A_190, %add3A_191 : i32
      %get3A_193 = arith.index_cast %add3A_192 : i32 to index
      %get3A_194 = tpu.vector_load %arg6[%get3A_193] {strides = array<i32>} : memref<16384xi32, #tpu.memory_space<vmem>>, vector<16xi32>,
      tpu.vector_store_idx %arg4[%get3A_194], %broadcast_in_dim3A_3 : memref<32784xf32, #tpu.memory_space<vmem>>[vector<16xi32>], vector<16xf32>,
      %mul3A_195 = arith.constant 256 : i32
      %mul3A_196 = arith.muli %sub3A_158, %mul3A_195 : i32
      %add3A_197 = arith.constant 96 : i32
      %add3A_198 = arith.addi %mul3A_196, %add3A_197 : i32
      %get3A_199 = arith.index_cast %add3A_198 : i32 to index
      %get3A_200 = tpu.vector_load %arg6[%get3A_199] {strides = array<i32>} : memref<16384xi32, #tpu.memory_space<vmem>>, vector<16xi32>,
      tpu.vector_store_idx %arg4[%get3A_200], %broadcast_in_dim3A_3 : memref<32784xf32, #tpu.memory_space<vmem>>[vector<16xi32>], vector<16xf32>,
      %mul3A_201 = arith.constant 256 : i32
      %mul3A_202 = arith.muli %sub3A_158, %mul3A_201 : i32
      %add3A_203 = arith.constant 112 : i32
      %add3A_204 = arith.addi %mul3A_202, %add3A_203 : i32
      %get3A_205 = arith.index_cast %add3A_204 : i32 to index
      %get3A_206 = tpu.vector_load %arg6[%get3A_205] {strides = array<i32>} : memref<16384xi32, #tpu.memory_space<vmem>>, vector<16xi32>,
      tpu.vector_store_idx %arg4[%get3A_206], %broadcast_in_dim3A_3 : memref<32784xf32, #tpu.memory_space<vmem>>[vector<16xi32>], vector<16xf32>,
      %mul3A_207 = arith.constant 256 : i32
      %mul3A_208 = arith.muli %sub3A_158, %mul3A_207 : i32
      %add3A_209 = arith.constant 128 : i32
      %add3A_210 = arith.addi %mul3A_208, %add3A_209 : i32
      %get3A_211 = arith.index_cast %add3A_210 : i32 to index
      %get3A_212 = tpu.vector_load %arg6[%get3A_211] {strides = array<i32>} : memref<16384xi32, #tpu.memory_space<vmem>>, vector<16xi32>,
      tpu.vector_store_idx %arg4[%get3A_212], %broadcast_in_dim3A_3 : memref<32784xf32, #tpu.memory_space<vmem>>[vector<16xi32>], vector<16xf32>,
      %mul3A_213 = arith.constant 256 : i32
      %mul3A_214 = arith.muli %sub3A_158, %mul3A_213 : i32
      %add3A_215 = arith.constant 144 : i32
      %add3A_216 = arith.addi %mul3A_214, %add3A_215 : i32
      %get3A_217 = arith.index_cast %add3A_216 : i32 to index
      %get3A_218 = tpu.vector_load %arg6[%get3A_217] {strides = array<i32>} : memref<16384xi32, #tpu.memory_space<vmem>>, vector<16xi32>,
      tpu.vector_store_idx %arg4[%get3A_218], %broadcast_in_dim3A_3 : memref<32784xf32, #tpu.memory_space<vmem>>[vector<16xi32>], vector<16xf32>,
      %mul3A_219 = arith.constant 256 : i32
      %mul3A_220 = arith.muli %sub3A_158, %mul3A_219 : i32
      %add3A_221 = arith.constant 160 : i32
      %add3A_222 = arith.addi %mul3A_220, %add3A_221 : i32
      %get3A_223 = arith.index_cast %add3A_222 : i32 to index
      %get3A_224 = tpu.vector_load %arg6[%get3A_223] {strides = array<i32>} : memref<16384xi32, #tpu.memory_space<vmem>>, vector<16xi32>,
      tpu.vector_store_idx %arg4[%get3A_224], %broadcast_in_dim3A_3 : memref<32784xf32, #tpu.memory_space<vmem>>[vector<16xi32>], vector<16xf32>,
      %mul3A_225 = arith.constant 256 : i32
      %mul3A_226 = arith.muli %sub3A_158, %mul3A_225 : i32
      %add3A_227 = arith.constant 176 : i32
      %add3A_228 = arith.addi %mul3A_226, %add3A_227 : i32
      %get3A_229 = arith.index_cast %add3A_228 : i32 to index
      %get3A_230 = tpu.vector_load %arg6[%get3A_229] {strides = array<i32>} : memref<16384xi32, #tpu.memory_space<vmem>>, vector<16xi32>,
      tpu.vector_store_idx %arg4[%get3A_230], %broadcast_in_dim3A_3 : memref<32784xf32, #tpu.memory_space<vmem>>[vector<16xi32>], vector<16xf32>,
      %mul3A_231 = arith.constant 256 : i32
      %mul3A_232 = arith.muli %sub3A_158, %mul3A_231 : i32
      %add3A_233 = arith.constant 192 : i32
      %add3A_234 = arith.addi %mul3A_232, %add3A_233 : i32
      %get3A_235 = arith.index_cast %add3A_234 : i32 to index
      %get3A_236 = tpu.vector_load %arg6[%get3A_235] {strides = array<i32>} : memref<16384xi32, #tpu.memory_space<vmem>>, vector<16xi32>,
      tpu.vector_store_idx %arg4[%get3A_236], %broadcast_in_dim3A_3 : memref<32784xf32, #tpu.memory_space<vmem>>[vector<16xi32>], vector<16xf32>,
      %mul3A_237 = arith.constant 256 : i32
      %mul3A_238 = arith.muli %sub3A_158, %mul3A_237 : i32
      %add3A_239 = arith.constant 208 : i32
      %add3A_240 = arith.addi %mul3A_238, %add3A_239 : i32
      %get3A_241 = arith.index_cast %add3A_240 : i32 to index
      %get3A_242 = tpu.vector_load %arg6[%get3A_241] {strides = array<i32>} : memref<16384xi32, #tpu.memory_space<vmem>>, vector<16xi32>,
      tpu.vector_store_idx %arg4[%get3A_242], %broadcast_in_dim3A_3 : memref<32784xf32, #tpu.memory_space<vmem>>[vector<16xi32>], vector<16xf32>,
      %mul3A_243 = arith.constant 256 : i32
      %mul3A_244 = arith.muli %sub3A_158, %mul3A_243 : i32
      %add3A_245 = arith.constant 224 : i32
      %add3A_246 = arith.addi %mul3A_244, %add3A_245 : i32
      %get3A_247 = arith.index_cast %add3A_246 : i32 to index
      %get3A_248 = tpu.vector_load %arg6[%get3A_247] {strides = array<i32>} : memref<16384xi32, #tpu.memory_space<vmem>>, vector<16xi32>,
      tpu.vector_store_idx %arg4[%get3A_248], %broadcast_in_dim3A_3 : memref<32784xf32, #tpu.memory_space<vmem>>[vector<16xi32>], vector<16xf32>,
      %mul3A_249 = arith.constant 256 : i32
      %mul3A_250 = arith.muli %sub3A_158, %mul3A_249 : i32
      %add3A_251 = arith.constant 240 : i32
      %add3A_252 = arith.addi %mul3A_250, %add3A_251 : i32
      %get3A_253 = arith.index_cast %add3A_252 : i32 to index
      %get3A_254 = tpu.vector_load %arg6[%get3A_253] {strides = array<i32>} : memref<16384xi32, #tpu.memory_space<vmem>>, vector<16xi32>,
      tpu.vector_store_idx %arg4[%get3A_254], %broadcast_in_dim3A_3 : memref<32784xf32, #tpu.memory_space<vmem>>[vector<16xi32>], vector<16xf32>,
      %mul3A_255 = arith.constant 256 : i32
      %mul3A_256 = arith.muli %mul3A_139, %mul3A_255 : i32
      %add3A_257 = arith.constant 0 : i32
      %add3A_258 = arith.addi %mul3A_256, %add3A_257 : i32
      %get3A_259 = arith.index_cast %add3A_258 : i32 to index
      %get3A_260 = tpu.vector_load %arg6[%get3A_259] {strides = array<i32>} : memref<16384xi32, #tpu.memory_space<vmem>>, vector<16xi32>,
      tpu.vector_store_idx %arg4[%get3A_260], %broadcast_in_dim3A_5 : memref<32784xf32, #tpu.memory_space<vmem>>[vector<16xi32>], vector<16xf32>,
      %mul3A_261 = arith.constant 256 : i32
      %mul3A_262 = arith.muli %mul3A_139, %mul3A_261 : i32
      %add3A_263 = arith.constant 16 : i32
      %add3A_264 = arith.addi %mul3A_262, %add3A_263 : i32
      %get3A_265 = arith.index_cast %add3A_264 : i32 to index
      %get3A_266 = tpu.vector_load %arg6[%get3A_265] {strides = array<i32>} : memref<16384xi32, #tpu.memory_space<vmem>>, vector<16xi32>,
      tpu.vector_store_idx %arg4[%get3A_266], %broadcast_in_dim3A_5 : memref<32784xf32, #tpu.memory_space<vmem>>[vector<16xi32>], vector<16xf32>,
      %mul3A_267 = arith.constant 256 : i32
      %mul3A_268 = arith.muli %mul3A_139, %mul3A_267 : i32
      %add3A_269 = arith.constant 32 : i32
      %add3A_270 = arith.addi %mul3A_268, %add3A_269 : i32
      %get3A_271 = arith.index_cast %add3A_270 : i32 to index
      %get3A_272 = tpu.vector_load %arg6[%get3A_271] {strides = array<i32>} : memref<16384xi32, #tpu.memory_space<vmem>>, vector<16xi32>,
      tpu.vector_store_idx %arg4[%get3A_272], %broadcast_in_dim3A_5 : memref<32784xf32, #tpu.memory_space<vmem>>[vector<16xi32>], vector<16xf32>,
      %mul3A_273 = arith.constant 256 : i32
      %mul3A_274 = arith.muli %mul3A_139, %mul3A_273 : i32
      %add3A_275 = arith.constant 48 : i32
      %add3A_276 = arith.addi %mul3A_274, %add3A_275 : i32
      %get3A_277 = arith.index_cast %add3A_276 : i32 to index
      %get3A_278 = tpu.vector_load %arg6[%get3A_277] {strides = array<i32>} : memref<16384xi32, #tpu.memory_space<vmem>>, vector<16xi32>,
      tpu.vector_store_idx %arg4[%get3A_278], %broadcast_in_dim3A_5 : memref<32784xf32, #tpu.memory_space<vmem>>[vector<16xi32>], vector<16xf32>,
      %mul3A_279 = arith.constant 256 : i32
      %mul3A_280 = arith.muli %mul3A_139, %mul3A_279 : i32
      %add3A_281 = arith.constant 64 : i32
      %add3A_282 = arith.addi %mul3A_280, %add3A_281 : i32
      %get3A_283 = arith.index_cast %add3A_282 : i32 to index
      %get3A_284 = tpu.vector_load %arg6[%get3A_283] {strides = array<i32>} : memref<16384xi32, #tpu.memory_space<vmem>>, vector<16xi32>,
      tpu.vector_store_idx %arg4[%get3A_284], %broadcast_in_dim3A_5 : memref<32784xf32, #tpu.memory_space<vmem>>[vector<16xi32>], vector<16xf32>,
      %mul3A_285 = arith.constant 256 : i32
      %mul3A_286 = arith.muli %mul3A_139, %mul3A_285 : i32
      %add3A_287 = arith.constant 80 : i32
      %add3A_288 = arith.addi %mul3A_286, %add3A_287 : i32
      %get3A_289 = arith.index_cast %add3A_288 : i32 to index
      %get3A_290 = tpu.vector_load %arg6[%get3A_289] {strides = array<i32>} : memref<16384xi32, #tpu.memory_space<vmem>>, vector<16xi32>,
      tpu.vector_store_idx %arg4[%get3A_290], %broadcast_in_dim3A_5 : memref<32784xf32, #tpu.memory_space<vmem>>[vector<16xi32>], vector<16xf32>,
      %mul3A_291 = arith.constant 256 : i32
      %mul3A_292 = arith.muli %mul3A_139, %mul3A_291 : i32
      %add3A_293 = arith.constant 96 : i32
      %add3A_294 = arith.addi %mul3A_292, %add3A_293 : i32
      %get3A_295 = arith.index_cast %add3A_294 : i32 to index
      %get3A_296 = tpu.vector_load %arg6[%get3A_295] {strides = array<i32>} : memref<16384xi32, #tpu.memory_space<vmem>>, vector<16xi32>,
      tpu.vector_store_idx %arg4[%get3A_296], %broadcast_in_dim3A_5 : memref<32784xf32, #tpu.memory_space<vmem>>[vector<16xi32>], vector<16xf32>,
      %mul3A_297 = arith.constant 256 : i32
      %mul3A_298 = arith.muli %mul3A_139, %mul3A_297 : i32
      %add3A_299 = arith.constant 112 : i32
      %add3A_300 = arith.addi %mul3A_298, %add3A_299 : i32
      %get3A_301 = arith.index_cast %add3A_300 : i32 to index
      %get3A_302 = tpu.vector_load %arg6[%get3A_301] {strides = array<i32>} : memref<16384xi32, #tpu.memory_space<vmem>>, vector<16xi32>,
      tpu.vector_store_idx %arg4[%get3A_302], %broadcast_in_dim3A_5 : memref<32784xf32, #tpu.memory_space<vmem>>[vector<16xi32>], vector<16xf32>,
      %mul3A_303 = arith.constant 256 : i32
      %mul3A_304 = arith.muli %mul3A_139, %mul3A_303 : i32
      %add3A_305 = arith.constant 128 : i32
      %add3A_306 = arith.addi %mul3A_304, %add3A_305 : i32
      %get3A_307 = arith.index_cast %add3A_306 : i32 to index
      %get3A_308 = tpu.vector_load %arg6[%get3A_307] {strides = array<i32>} : memref<16384xi32, #tpu.memory_space<vmem>>, vector<16xi32>,
      tpu.vector_store_idx %arg4[%get3A_308], %broadcast_in_dim3A_5 : memref<32784xf32, #tpu.memory_space<vmem>>[vector<16xi32>], vector<16xf32>,
      %mul3A_309 = arith.constant 256 : i32
      %mul3A_310 = arith.muli %mul3A_139, %mul3A_309 : i32
      %add3A_311 = arith.constant 144 : i32
      %add3A_312 = arith.addi %mul3A_310, %add3A_311 : i32
      %get3A_313 = arith.index_cast %add3A_312 : i32 to index
      %get3A_314 = tpu.vector_load %arg6[%get3A_313] {strides = array<i32>} : memref<16384xi32, #tpu.memory_space<vmem>>, vector<16xi32>,
      tpu.vector_store_idx %arg4[%get3A_314], %broadcast_in_dim3A_5 : memref<32784xf32, #tpu.memory_space<vmem>>[vector<16xi32>], vector<16xf32>,
      %mul3A_315 = arith.constant 256 : i32
      %mul3A_316 = arith.muli %mul3A_139, %mul3A_315 : i32
      %add3A_317 = arith.constant 160 : i32
      %add3A_318 = arith.addi %mul3A_316, %add3A_317 : i32
      %get3A_319 = arith.index_cast %add3A_318 : i32 to index
      %get3A_320 = tpu.vector_load %arg6[%get3A_319] {strides = array<i32>} : memref<16384xi32, #tpu.memory_space<vmem>>, vector<16xi32>,
      tpu.vector_store_idx %arg4[%get3A_320], %broadcast_in_dim3A_5 : memref<32784xf32, #tpu.memory_space<vmem>>[vector<16xi32>], vector<16xf32>,
      %mul3A_321 = arith.constant 256 : i32
      %mul3A_322 = arith.muli %mul3A_139, %mul3A_321 : i32
      %add3A_323 = arith.constant 176 : i32
      %add3A_324 = arith.addi %mul3A_322, %add3A_323 : i32
      %get3A_325 = arith.index_cast %add3A_324 : i32 to index
      %get3A_326 = tpu.vector_load %arg6[%get3A_325] {strides = array<i32>} : memref<16384xi32, #tpu.memory_space<vmem>>, vector<16xi32>,
      tpu.vector_store_idx %arg4[%get3A_326], %broadcast_in_dim3A_5 : memref<32784xf32, #tpu.memory_space<vmem>>[vector<16xi32>], vector<16xf32>,
      %mul3A_327 = arith.constant 256 : i32
      %mul3A_328 = arith.muli %mul3A_139, %mul3A_327 : i32
      %add3A_329 = arith.constant 192 : i32
      %add3A_330 = arith.addi %mul3A_328, %add3A_329 : i32
      %get3A_331 = arith.index_cast %add3A_330 : i32 to index
      %get3A_332 = tpu.vector_load %arg6[%get3A_331] {strides = array<i32>} : memref<16384xi32, #tpu.memory_space<vmem>>, vector<16xi32>,
      tpu.vector_store_idx %arg4[%get3A_332], %broadcast_in_dim3A_5 : memref<32784xf32, #tpu.memory_space<vmem>>[vector<16xi32>], vector<16xf32>,
      %mul3A_333 = arith.constant 256 : i32
      %mul3A_334 = arith.muli %mul3A_139, %mul3A_333 : i32
      %add3A_335 = arith.constant 208 : i32
      %add3A_336 = arith.addi %mul3A_334, %add3A_335 : i32
      %get3A_337 = arith.index_cast %add3A_336 : i32 to index
      %get3A_338 = tpu.vector_load %arg6[%get3A_337] {strides = array<i32>} : memref<16384xi32, #tpu.memory_space<vmem>>, vector<16xi32>,
      tpu.vector_store_idx %arg4[%get3A_338], %broadcast_in_dim3A_5 : memref<32784xf32, #tpu.memory_space<vmem>>[vector<16xi32>], vector<16xf32>,
      %mul3A_339 = arith.constant 256 : i32
      %mul3A_340 = arith.muli %mul3A_139, %mul3A_339 : i32
      %add3A_341 = arith.constant 224 : i32
      %add3A_342 = arith.addi %mul3A_340, %add3A_341 : i32
      %get3A_343 = arith.index_cast %add3A_342 : i32 to index
      %get3A_344 = tpu.vector_load %arg6[%get3A_343] {strides = array<i32>} : memref<16384xi32, #tpu.memory_space<vmem>>, vector<16xi32>,
      tpu.vector_store_idx %arg4[%get3A_344], %broadcast_in_dim3A_5 : memref<32784xf32, #tpu.memory_space<vmem>>[vector<16xi32>], vector<16xf32>,
      %mul3A_345 = arith.constant 256 : i32
      %mul3A_346 = arith.muli %mul3A_139, %mul3A_345 : i32
      %add3A_347 = arith.constant 240 : i32
      %add3A_348 = arith.addi %mul3A_346, %add3A_347 : i32
      %get3A_349 = arith.index_cast %add3A_348 : i32 to index
      %get3A_350 = tpu.vector_load %arg6[%get3A_349] {strides = array<i32>} : memref<16384xi32, #tpu.memory_space<vmem>>, vector<16xi32>,
      tpu.vector_store_idx %arg4[%get3A_350], %broadcast_in_dim3A_5 : memref<32784xf32, #tpu.memory_space<vmem>>[vector<16xi32>], vector<16xf32>,
      %add3A_351 = arith.addi %mul3A_2, %mul3A_139 : i32
      %dma_start3A_352 = arith.constant 0 : i32
      %dma_start3A_353 = tpu.memref_slice %arg4[%dma_start3A_352] : memref<32784xf32, #tpu.memory_space<vmem>> -> memref<32768xf32, #tpu.memory_space<vmem>>
      %dma_start3A_354 = arith.constant 0 : i32
      %dma_start3A_355 = tpu.memref_slice %arg3[%add3A_351, %dma_start3A_354] : memref<2048x32768xf32, #tpu.memory_space<hbm>> -> memref<1x32768xf32, #tpu.memory_space<hbm>>
      %dma_start3A_356 = tpu.memref_squeeze %dma_start3A_355 : memref<1x32768xf32, #tpu.memory_space<hbm>> -> memref<32768xf32, #tpu.memory_space<hbm>>
      %dma_start3A_357 = arith.constant 0 : i32
      %dma_start3A_358 = tpu.memref_slice %arg3[%add3A_351, %dma_start3A_357] : memref<2048x32768xf32, #tpu.memory_space<hbm>> -> memref<1x32768xf32, #tpu.memory_space<hbm>>
      %dma_start3A_359 = tpu.memref_squeeze %dma_start3A_358 : memref<1x32768xf32, #tpu.memory_space<hbm>> -> memref<32768xf32, #tpu.memory_space<hbm>>
      %dma_start3A_360 = arith.constant 0 : i32
      %dma_start3A_361 = tpu.memref_slice %arg4[%dma_start3A_360] : memref<32784xf32, #tpu.memory_space<vmem>> -> memref<32768xf32, #tpu.memory_space<vmem>>
      tpu.enqueue_dma source(%dma_start3A_361 : memref<32768xf32, #tpu.memory_space<vmem>>) target(%dma_start3A_359 : memref<32768xf32, #tpu.memory_space<hbm>>) target_semaphore(%arg7 : memref<!tpu.dma_semaphore, #tpu.memory_space<semaphore_mem>>)
      %add3A_362 = arith.addi %mul3A_2, %add3A_143 : i32
      %sub3A_363 = arith.constant 2 : i32
      %sub3A_364 = arith.subi %add3A_362, %sub3A_363 : i32
      %dma_wait3A_365 = arith.constant 0 : i32
      %dma_wait3A_366 = tpu.memref_slice %arg5[%dma_wait3A_365] : memref<32784xf32, #tpu.memory_space<vmem>> -> memref<32768xf32, #tpu.memory_space<vmem>>
      %dma_wait3A_367 = arith.constant 0 : i32
      %dma_wait3A_368 = tpu.memref_slice %arg3[%sub3A_364, %dma_wait3A_367] : memref<2048x32768xf32, #tpu.memory_space<hbm>> -> memref<1x32768xf32, #tpu.memory_space<hbm>>
      %dma_wait3A_369 = tpu.memref_squeeze %dma_wait3A_368 : memref<1x32768xf32, #tpu.memory_space<hbm>> -> memref<32768xf32, #tpu.memory_space<hbm>>
      %dma_wait3A_370 = arith.constant 0 : i32
      %dma_wait3A_371 = tpu.memref_slice %arg3[%sub3A_364, %dma_wait3A_370] : memref<2048x32768xf32, #tpu.memory_space<hbm>> -> memref<1x32768xf32, #tpu.memory_space<hbm>>
      %dma_wait3A_372 = tpu.memref_squeeze %dma_wait3A_371 : memref<1x32768xf32, #tpu.memory_space<hbm>> -> memref<32768xf32, #tpu.memory_space<hbm>>
      %dma_wait3A_373 = arith.constant 0 : i32
      %dma_wait3A_374 = tpu.memref_slice %arg5[%dma_wait3A_373] : memref<32784xf32, #tpu.memory_space<vmem>> -> memref<32768xf32, #tpu.memory_space<vmem>>
      tpu.wait_dma2 semaphore(%arg8 : memref<!tpu.dma_semaphore, #tpu.memory_space<semaphore_mem>>) src(%dma_wait3A_374 : memref<32768xf32, #tpu.memory_space<vmem>>) dst(%dma_wait3A_372 : memref<32768xf32, #tpu.memory_space<hbm>>)
      %sub3A_375 = arith.constant 2 : i32
      %sub3A_376 = arith.subi %add3A_143, %sub3A_375 : i32
      %mul3A_377 = arith.constant 256 : i32
      %mul3A_378 = arith.muli %sub3A_376, %mul3A_377 : i32
      %add3A_379 = arith.constant 0 : i32
      %add3A_380 = arith.addi %mul3A_378, %add3A_379 : i32
      %get3A_381 = arith.index_cast %add3A_380 : i32 to index
      %get3A_382 = tpu.vector_load %arg6[%get3A_381] {strides = array<i32>} : memref<16384xi32, #tpu.memory_space<vmem>>, vector<16xi32>,
      tpu.vector_store_idx %arg5[%get3A_382], %broadcast_in_dim3A_3 : memref<32784xf32, #tpu.memory_space<vmem>>[vector<16xi32>], vector<16xf32>,
      %mul3A_383 = arith.constant 256 : i32
      %mul3A_384 = arith.muli %sub3A_376, %mul3A_383 : i32
      %add3A_385 = arith.constant 16 : i32
      %add3A_386 = arith.addi %mul3A_384, %add3A_385 : i32
      %get3A_387 = arith.index_cast %add3A_386 : i32 to index
      %get3A_388 = tpu.vector_load %arg6[%get3A_387] {strides = array<i32>} : memref<16384xi32, #tpu.memory_space<vmem>>, vector<16xi32>,
      tpu.vector_store_idx %arg5[%get3A_388], %broadcast_in_dim3A_3 : memref<32784xf32, #tpu.memory_space<vmem>>[vector<16xi32>], vector<16xf32>,
      %mul3A_389 = arith.constant 256 : i32
      %mul3A_390 = arith.muli %sub3A_376, %mul3A_389 : i32
      %add3A_391 = arith.constant 32 : i32
      %add3A_392 = arith.addi %mul3A_390, %add3A_391 : i32
      %get3A_393 = arith.index_cast %add3A_392 : i32 to index
      %get3A_394 = tpu.vector_load %arg6[%get3A_393] {strides = array<i32>} : memref<16384xi32, #tpu.memory_space<vmem>>, vector<16xi32>,
      tpu.vector_store_idx %arg5[%get3A_394], %broadcast_in_dim3A_3 : memref<32784xf32, #tpu.memory_space<vmem>>[vector<16xi32>], vector<16xf32>,
      %mul3A_395 = arith.constant 256 : i32
      %mul3A_396 = arith.muli %sub3A_376, %mul3A_395 : i32
      %add3A_397 = arith.constant 48 : i32
      %add3A_398 = arith.addi %mul3A_396, %add3A_397 : i32
      %get3A_399 = arith.index_cast %add3A_398 : i32 to index
      %get3A_400 = tpu.vector_load %arg6[%get3A_399] {strides = array<i32>} : memref<16384xi32, #tpu.memory_space<vmem>>, vector<16xi32>,
      tpu.vector_store_idx %arg5[%get3A_400], %broadcast_in_dim3A_3 : memref<32784xf32, #tpu.memory_space<vmem>>[vector<16xi32>], vector<16xf32>,
      %mul3A_401 = arith.constant 256 : i32
      %mul3A_402 = arith.muli %sub3A_376, %mul3A_401 : i32
      %add3A_403 = arith.constant 64 : i32
      %add3A_404 = arith.addi %mul3A_402, %add3A_403 : i32
      %get3A_405 = arith.index_cast %add3A_404 : i32 to index
      %get3A_406 = tpu.vector_load %arg6[%get3A_405] {strides = array<i32>} : memref<16384xi32, #tpu.memory_space<vmem>>, vector<16xi32>,
      tpu.vector_store_idx %arg5[%get3A_406], %broadcast_in_dim3A_3 : memref<32784xf32, #tpu.memory_space<vmem>>[vector<16xi32>], vector<16xf32>,
      %mul3A_407 = arith.constant 256 : i32
      %mul3A_408 = arith.muli %sub3A_376, %mul3A_407 : i32
      %add3A_409 = arith.constant 80 : i32
      %add3A_410 = arith.addi %mul3A_408, %add3A_409 : i32
      %get3A_411 = arith.index_cast %add3A_410 : i32 to index
      %get3A_412 = tpu.vector_load %arg6[%get3A_411] {strides = array<i32>} : memref<16384xi32, #tpu.memory_space<vmem>>, vector<16xi32>,
      tpu.vector_store_idx %arg5[%get3A_412], %broadcast_in_dim3A_3 : memref<32784xf32, #tpu.memory_space<vmem>>[vector<16xi32>], vector<16xf32>,
      %mul3A_413 = arith.constant 256 : i32
      %mul3A_414 = arith.muli %sub3A_376, %mul3A_413 : i32
      %add3A_415 = arith.constant 96 : i32
      %add3A_416 = arith.addi %mul3A_414, %add3A_415 : i32
      %get3A_417 = arith.index_cast %add3A_416 : i32 to index
      %get3A_418 = tpu.vector_load %arg6[%get3A_417] {strides = array<i32>} : memref<16384xi32, #tpu.memory_space<vmem>>, vector<16xi32>,
      tpu.vector_store_idx %arg5[%get3A_418], %broadcast_in_dim3A_3 : memref<32784xf32, #tpu.memory_space<vmem>>[vector<16xi32>], vector<16xf32>,
      %mul3A_419 = arith.constant 256 : i32
      %mul3A_420 = arith.muli %sub3A_376, %mul3A_419 : i32
      %add3A_421 = arith.constant 112 : i32
      %add3A_422 = arith.addi %mul3A_420, %add3A_421 : i32
      %get3A_423 = arith.index_cast %add3A_422 : i32 to index
      %get3A_424 = tpu.vector_load %arg6[%get3A_423] {strides = array<i32>} : memref<16384xi32, #tpu.memory_space<vmem>>, vector<16xi32>,
      tpu.vector_store_idx %arg5[%get3A_424], %broadcast_in_dim3A_3 : memref<32784xf32, #tpu.memory_space<vmem>>[vector<16xi32>], vector<16xf32>,
      %mul3A_425 = arith.constant 256 : i32
      %mul3A_426 = arith.muli %sub3A_376, %mul3A_425 : i32
      %add3A_427 = arith.constant 128 : i32
      %add3A_428 = arith.addi %mul3A_426, %add3A_427 : i32
      %get3A_429 = arith.index_cast %add3A_428 : i32 to index
      %get3A_430 = tpu.vector_load %arg6[%get3A_429] {strides = array<i32>} : memref<16384xi32, #tpu.memory_space<vmem>>, vector<16xi32>,
      tpu.vector_store_idx %arg5[%get3A_430], %broadcast_in_dim3A_3 : memref<32784xf32, #tpu.memory_space<vmem>>[vector<16xi32>], vector<16xf32>,
      %mul3A_431 = arith.constant 256 : i32
      %mul3A_432 = arith.muli %sub3A_376, %mul3A_431 : i32
      %add3A_433 = arith.constant 144 : i32
      %add3A_434 = arith.addi %mul3A_432, %add3A_433 : i32
      %get3A_435 = arith.index_cast %add3A_434 : i32 to index
      %get3A_436 = tpu.vector_load %arg6[%get3A_435] {strides = array<i32>} : memref<16384xi32, #tpu.memory_space<vmem>>, vector<16xi32>,
      tpu.vector_store_idx %arg5[%get3A_436], %broadcast_in_dim3A_3 : memref<32784xf32, #tpu.memory_space<vmem>>[vector<16xi32>], vector<16xf32>,
      %mul3A_437 = arith.constant 256 : i32
      %mul3A_438 = arith.muli %sub3A_376, %mul3A_437 : i32
      %add3A_439 = arith.constant 160 : i32
      %add3A_440 = arith.addi %mul3A_438, %add3A_439 : i32
      %get3A_441 = arith.index_cast %add3A_440 : i32 to index
      %get3A_442 = tpu.vector_load %arg6[%get3A_441] {strides = array<i32>} : memref<16384xi32, #tpu.memory_space<vmem>>, vector<16xi32>,
      tpu.vector_store_idx %arg5[%get3A_442], %broadcast_in_dim3A_3 : memref<32784xf32, #tpu.memory_space<vmem>>[vector<16xi32>], vector<16xf32>,
      %mul3A_443 = arith.constant 256 : i32
      %mul3A_444 = arith.muli %sub3A_376, %mul3A_443 : i32
      %add3A_445 = arith.constant 176 : i32
      %add3A_446 = arith.addi %mul3A_444, %add3A_445 : i32
      %get3A_447 = arith.index_cast %add3A_446 : i32 to index
      %get3A_448 = tpu.vector_load %arg6[%get3A_447] {strides = array<i32>} : memref<16384xi32, #tpu.memory_space<vmem>>, vector<16xi32>,
      tpu.vector_store_idx %arg5[%get3A_448], %broadcast_in_dim3A_3 : memref<32784xf32, #tpu.memory_space<vmem>>[vector<16xi32>], vector<16xf32>,
      %mul3A_449 = arith.constant 256 : i32
      %mul3A_450 = arith.muli %sub3A_376, %mul3A_449 : i32
      %add3A_451 = arith.constant 192 : i32
      %add3A_452 = arith.addi %mul3A_450, %add3A_451 : i32
      %get3A_453 = arith.index_cast %add3A_452 : i32 to index
      %get3A_454 = tpu.vector_load %arg6[%get3A_453] {strides = array<i32>} : memref<16384xi32, #tpu.memory_space<vmem>>, vector<16xi32>,
      tpu.vector_store_idx %arg5[%get3A_454], %broadcast_in_dim3A_3 : memref<32784xf32, #tpu.memory_space<vmem>>[vector<16xi32>], vector<16xf32>,
      %mul3A_455 = arith.constant 256 : i32
      %mul3A_456 = arith.muli %sub3A_376, %mul3A_455 : i32
      %add3A_457 = arith.constant 208 : i32
      %add3A_458 = arith.addi %mul3A_456, %add3A_457 : i32
      %get3A_459 = arith.index_cast %add3A_458 : i32 to index
      %get3A_460 = tpu.vector_load %arg6[%get3A_459] {strides = array<i32>} : memref<16384xi32, #tpu.memory_space<vmem>>, vector<16xi32>,
      tpu.vector_store_idx %arg5[%get3A_460], %broadcast_in_dim3A_3 : memref<32784xf32, #tpu.memory_space<vmem>>[vector<16xi32>], vector<16xf32>,
      %mul3A_461 = arith.constant 256 : i32
      %mul3A_462 = arith.muli %sub3A_376, %mul3A_461 : i32
      %add3A_463 = arith.constant 224 : i32
      %add3A_464 = arith.addi %mul3A_462, %add3A_463 : i32
      %get3A_465 = arith.index_cast %add3A_464 : i32 to index
      %get3A_466 = tpu.vector_load %arg6[%get3A_465] {strides = array<i32>} : memref<16384xi32, #tpu.memory_space<vmem>>, vector<16xi32>,
      tpu.vector_store_idx %arg5[%get3A_466], %broadcast_in_dim3A_3 : memref<32784xf32, #tpu.memory_space<vmem>>[vector<16xi32>], vector<16xf32>,
      %mul3A_467 = arith.constant 256 : i32
      %mul3A_468 = arith.muli %sub3A_376, %mul3A_467 : i32
      %add3A_469 = arith.constant 240 : i32
      %add3A_470 = arith.addi %mul3A_468, %add3A_469 : i32
      %get3A_471 = arith.index_cast %add3A_470 : i32 to index
      %get3A_472 = tpu.vector_load %arg6[%get3A_471] {strides = array<i32>} : memref<16384xi32, #tpu.memory_space<vmem>>, vector<16xi32>,
      tpu.vector_store_idx %arg5[%get3A_472], %broadcast_in_dim3A_3 : memref<32784xf32, #tpu.memory_space<vmem>>[vector<16xi32>], vector<16xf32>,
      %mul3A_473 = arith.constant 256 : i32
      %mul3A_474 = arith.muli %add3A_143, %mul3A_473 : i32
      %add3A_475 = arith.constant 0 : i32
      %add3A_476 = arith.addi %mul3A_474, %add3A_475 : i32
      %get3A_477 = arith.index_cast %add3A_476 : i32 to index
      %get3A_478 = tpu.vector_load %arg6[%get3A_477] {strides = array<i32>} : memref<16384xi32, #tpu.memory_space<vmem>>, vector<16xi32>,
      tpu.vector_store_idx %arg5[%get3A_478], %broadcast_in_dim3A_5 : memref<32784xf32, #tpu.memory_space<vmem>>[vector<16xi32>], vector<16xf32>,
      %mul3A_479 = arith.constant 256 : i32
      %mul3A_480 = arith.muli %add3A_143, %mul3A_479 : i32
      %add3A_481 = arith.constant 16 : i32
      %add3A_482 = arith.addi %mul3A_480, %add3A_481 : i32
      %get3A_483 = arith.index_cast %add3A_482 : i32 to index
      %get3A_484 = tpu.vector_load %arg6[%get3A_483] {strides = array<i32>} : memref<16384xi32, #tpu.memory_space<vmem>>, vector<16xi32>,
      tpu.vector_store_idx %arg5[%get3A_484], %broadcast_in_dim3A_5 : memref<32784xf32, #tpu.memory_space<vmem>>[vector<16xi32>], vector<16xf32>,
      %mul3A_485 = arith.constant 256 : i32
      %mul3A_486 = arith.muli %add3A_143, %mul3A_485 : i32
      %add3A_487 = arith.constant 32 : i32
      %add3A_488 = arith.addi %mul3A_486, %add3A_487 : i32
      %get3A_489 = arith.index_cast %add3A_488 : i32 to index
      %get3A_490 = tpu.vector_load %arg6[%get3A_489] {strides = array<i32>} : memref<16384xi32, #tpu.memory_space<vmem>>, vector<16xi32>,
      tpu.vector_store_idx %arg5[%get3A_490], %broadcast_in_dim3A_5 : memref<32784xf32, #tpu.memory_space<vmem>>[vector<16xi32>], vector<16xf32>,
      %mul3A_491 = arith.constant 256 : i32
      %mul3A_492 = arith.muli %add3A_143, %mul3A_491 : i32
      %add3A_493 = arith.constant 48 : i32
      %add3A_494 = arith.addi %mul3A_492, %add3A_493 : i32
      %get3A_495 = arith.index_cast %add3A_494 : i32 to index
      %get3A_496 = tpu.vector_load %arg6[%get3A_495] {strides = array<i32>} : memref<16384xi32, #tpu.memory_space<vmem>>, vector<16xi32>,
      tpu.vector_store_idx %arg5[%get3A_496], %broadcast_in_dim3A_5 : memref<32784xf32, #tpu.memory_space<vmem>>[vector<16xi32>], vector<16xf32>,
      %mul3A_497 = arith.constant 256 : i32
      %mul3A_498 = arith.muli %add3A_143, %mul3A_497 : i32
      %add3A_499 = arith.constant 64 : i32
      %add3A_500 = arith.addi %mul3A_498, %add3A_499 : i32
      %get3A_501 = arith.index_cast %add3A_500 : i32 to index
      %get3A_502 = tpu.vector_load %arg6[%get3A_501] {strides = array<i32>} : memref<16384xi32, #tpu.memory_space<vmem>>, vector<16xi32>,
      tpu.vector_store_idx %arg5[%get3A_502], %broadcast_in_dim3A_5 : memref<32784xf32, #tpu.memory_space<vmem>>[vector<16xi32>], vector<16xf32>,
      %mul3A_503 = arith.constant 256 : i32
      %mul3A_504 = arith.muli %add3A_143, %mul3A_503 : i32
      %add3A_505 = arith.constant 80 : i32
      %add3A_506 = arith.addi %mul3A_504, %add3A_505 : i32
      %get3A_507 = arith.index_cast %add3A_506 : i32 to index
      %get3A_508 = tpu.vector_load %arg6[%get3A_507] {strides = array<i32>} : memref<16384xi32, #tpu.memory_space<vmem>>, vector<16xi32>,
      tpu.vector_store_idx %arg5[%get3A_508], %broadcast_in_dim3A_5 : memref<32784xf32, #tpu.memory_space<vmem>>[vector<16xi32>], vector<16xf32>,
      %mul3A_509 = arith.constant 256 : i32
      %mul3A_510 = arith.muli %add3A_143, %mul3A_509 : i32
      %add3A_511 = arith.constant 96 : i32
      %add3A_512 = arith.addi %mul3A_510, %add3A_511 : i32
      %get3A_513 = arith.index_cast %add3A_512 : i32 to index
      %get3A_514 = tpu.vector_load %arg6[%get3A_513] {strides = array<i32>} : memref<16384xi32, #tpu.memory_space<vmem>>, vector<16xi32>,
      tpu.vector_store_idx %arg5[%get3A_514], %broadcast_in_dim3A_5 : memref<32784xf32, #tpu.memory_space<vmem>>[vector<16xi32>], vector<16xf32>,
      %mul3A_515 = arith.constant 256 : i32
      %mul3A_516 = arith.muli %add3A_143, %mul3A_515 : i32
      %add3A_517 = arith.constant 112 : i32
      %add3A_518 = arith.addi %mul3A_516, %add3A_517 : i32
      %get3A_519 = arith.index_cast %add3A_518 : i32 to index
      %get3A_520 = tpu.vector_load %arg6[%get3A_519] {strides = array<i32>} : memref<16384xi32, #tpu.memory_space<vmem>>, vector<16xi32>,
      tpu.vector_store_idx %arg5[%get3A_520], %broadcast_in_dim3A_5 : memref<32784xf32, #tpu.memory_space<vmem>>[vector<16xi32>], vector<16xf32>,
      %mul3A_521 = arith.constant 256 : i32
      %mul3A_522 = arith.muli %add3A_143, %mul3A_521 : i32
      %add3A_523 = arith.constant 128 : i32
      %add3A_524 = arith.addi %mul3A_522, %add3A_523 : i32
      %get3A_525 = arith.index_cast %add3A_524 : i32 to index
      %get3A_526 = tpu.vector_load %arg6[%get3A_525] {strides = array<i32>} : memref<16384xi32, #tpu.memory_space<vmem>>, vector<16xi32>,
      tpu.vector_store_idx %arg5[%get3A_526], %broadcast_in_dim3A_5 : memref<32784xf32, #tpu.memory_space<vmem>>[vector<16xi32>], vector<16xf32>,
      %mul3A_527 = arith.constant 256 : i32
      %mul3A_528 = arith.muli %add3A_143, %mul3A_527 : i32
      %add3A_529 = arith.constant 144 : i32
      %add3A_530 = arith.addi %mul3A_528, %add3A_529 : i32
      %get3A_531 = arith.index_cast %add3A_530 : i32 to index
      %get3A_532 = tpu.vector_load %arg6[%get3A_531] {strides = array<i32>} : memref<16384xi32, #tpu.memory_space<vmem>>, vector<16xi32>,
      tpu.vector_store_idx %arg5[%get3A_532], %broadcast_in_dim3A_5 : memref<32784xf32, #tpu.memory_space<vmem>>[vector<16xi32>], vector<16xf32>,
      %mul3A_533 = arith.constant 256 : i32
      %mul3A_534 = arith.muli %add3A_143, %mul3A_533 : i32
      %add3A_535 = arith.constant 160 : i32
      %add3A_536 = arith.addi %mul3A_534, %add3A_535 : i32
      %get3A_537 = arith.index_cast %add3A_536 : i32 to index
      %get3A_538 = tpu.vector_load %arg6[%get3A_537] {strides = array<i32>} : memref<16384xi32, #tpu.memory_space<vmem>>, vector<16xi32>,
      tpu.vector_store_idx %arg5[%get3A_538], %broadcast_in_dim3A_5 : memref<32784xf32, #tpu.memory_space<vmem>>[vector<16xi32>], vector<16xf32>,
      %mul3A_539 = arith.constant 256 : i32
      %mul3A_540 = arith.muli %add3A_143, %mul3A_539 : i32
      %add3A_541 = arith.constant 176 : i32
      %add3A_542 = arith.addi %mul3A_540, %add3A_541 : i32
      %get3A_543 = arith.index_cast %add3A_542 : i32 to index
      %get3A_544 = tpu.vector_load %arg6[%get3A_543] {strides = array<i32>} : memref<16384xi32, #tpu.memory_space<vmem>>, vector<16xi32>,
      tpu.vector_store_idx %arg5[%get3A_544], %broadcast_in_dim3A_5 : memref<32784xf32, #tpu.memory_space<vmem>>[vector<16xi32>], vector<16xf32>,
      %mul3A_545 = arith.constant 256 : i32
      %mul3A_546 = arith.muli %add3A_143, %mul3A_545 : i32
      %add3A_547 = arith.constant 192 : i32
      %add3A_548 = arith.addi %mul3A_546, %add3A_547 : i32
      %get3A_549 = arith.index_cast %add3A_548 : i32 to index
      %get3A_550 = tpu.vector_load %arg6[%get3A_549] {strides = array<i32>} : memref<16384xi32, #tpu.memory_space<vmem>>, vector<16xi32>,
      tpu.vector_store_idx %arg5[%get3A_550], %broadcast_in_dim3A_5 : memref<32784xf32, #tpu.memory_space<vmem>>[vector<16xi32>], vector<16xf32>,
      %mul3A_551 = arith.constant 256 : i32
      %mul3A_552 = arith.muli %add3A_143, %mul3A_551 : i32
      %add3A_553 = arith.constant 208 : i32
      %add3A_554 = arith.addi %mul3A_552, %add3A_553 : i32
      %get3A_555 = arith.index_cast %add3A_554 : i32 to index
      %get3A_556 = tpu.vector_load %arg6[%get3A_555] {strides = array<i32>} : memref<16384xi32, #tpu.memory_space<vmem>>, vector<16xi32>,
      tpu.vector_store_idx %arg5[%get3A_556], %broadcast_in_dim3A_5 : memref<32784xf32, #tpu.memory_space<vmem>>[vector<16xi32>], vector<16xf32>,
      %mul3A_557 = arith.constant 256 : i32
      %mul3A_558 = arith.muli %add3A_143, %mul3A_557 : i32
      %add3A_559 = arith.constant 224 : i32
      %add3A_560 = arith.addi %mul3A_558, %add3A_559 : i32
      %get3A_561 = arith.index_cast %add3A_560 : i32 to index
      %get3A_562 = tpu.vector_load %arg6[%get3A_561] {strides = array<i32>} : memref<16384xi32, #tpu.memory_space<vmem>>, vector<16xi32>,
      tpu.vector_store_idx %arg5[%get3A_562], %broadcast_in_dim3A_5 : memref<32784xf32, #tpu.memory_space<vmem>>[vector<16xi32>], vector<16xf32>,
      %mul3A_563 = arith.constant 256 : i32
      %mul3A_564 = arith.muli %add3A_143, %mul3A_563 : i32
      %add3A_565 = arith.constant 240 : i32
      %add3A_566 = arith.addi %mul3A_564, %add3A_565 : i32
      %get3A_567 = arith.index_cast %add3A_566 : i32 to index
      %get3A_568 = tpu.vector_load %arg6[%get3A_567] {strides = array<i32>} : memref<16384xi32, #tpu.memory_space<vmem>>, vector<16xi32>,
      tpu.vector_store_idx %arg5[%get3A_568], %broadcast_in_dim3A_5 : memref<32784xf32, #tpu.memory_space<vmem>>[vector<16xi32>], vector<16xf32>,
      %add3A_569 = arith.addi %mul3A_2, %add3A_143 : i32
      %dma_start3A_570 = arith.constant 0 : i32
      %dma_start3A_571 = tpu.memref_slice %arg5[%dma_start3A_570] : memref<32784xf32, #tpu.memory_space<vmem>> -> memref<32768xf32, #tpu.memory_space<vmem>>
      %dma_start3A_572 = arith.constant 0 : i32
      %dma_start3A_573 = tpu.memref_slice %arg3[%add3A_569, %dma_start3A_572] : memref<2048x32768xf32, #tpu.memory_space<hbm>> -> memref<1x32768xf32, #tpu.memory_space<hbm>>
      %dma_start3A_574 = tpu.memref_squeeze %dma_start3A_573 : memref<1x32768xf32, #tpu.memory_space<hbm>> -> memref<32768xf32, #tpu.memory_space<hbm>>
      %dma_start3A_575 = arith.constant 0 : i32
      %dma_start3A_576 = tpu.memref_slice %arg3[%add3A_569, %dma_start3A_575] : memref<2048x32768xf32, #tpu.memory_space<hbm>> -> memref<1x32768xf32, #tpu.memory_space<hbm>>
      %dma_start3A_577 = tpu.memref_squeeze %dma_start3A_576 : memref<1x32768xf32, #tpu.memory_space<hbm>> -> memref<32768xf32, #tpu.memory_space<hbm>>
      %dma_start3A_578 = arith.constant 0 : i32
      %dma_start3A_579 = tpu.memref_slice %arg5[%dma_start3A_578] : memref<32784xf32, #tpu.memory_space<vmem>> -> memref<32768xf32, #tpu.memory_space<vmem>>
      tpu.enqueue_dma source(%dma_start3A_579 : memref<32768xf32, #tpu.memory_space<vmem>>) target(%dma_start3A_577 : memref<32768xf32, #tpu.memory_space<hbm>>) target_semaphore(%arg8 : memref<!tpu.dma_semaphore, #tpu.memory_space<semaphore_mem>>)
    }
    %scan3A_110 = arith.constant 31 : i32
    %add3A_111 = arith.constant 64 : i32
    %add3A_112 = arith.addi %mul3A_2, %add3A_111 : i32
    %sub3A = arith.constant 2 : i32
    %sub3A_113 = arith.subi %add3A_112, %sub3A : i32
    %dma_wait3A = arith.constant 0 : i32
    %dma_wait3A_114 = tpu.memref_slice %arg4[%dma_wait3A] : memref<32784xf32, #tpu.memory_space<vmem>> -> memref<32768xf32, #tpu.memory_space<vmem>>
    %dma_wait3A_115 = arith.constant 0 : i32
    %dma_wait3A_116 = tpu.memref_slice %arg3[%sub3A_113, %dma_wait3A_115] : memref<2048x32768xf32, #tpu.memory_space<hbm>> -> memref<1x32768xf32, #tpu.memory_space<hbm>>
    %dma_wait3A_117 = tpu.memref_squeeze %dma_wait3A_116 : memref<1x32768xf32, #tpu.memory_space<hbm>> -> memref<32768xf32, #tpu.memory_space<hbm>>
    %dma_wait3A_118 = arith.constant 0 : i32
    %dma_wait3A_119 = tpu.memref_slice %arg3[%sub3A_113, %dma_wait3A_118] : memref<2048x32768xf32, #tpu.memory_space<hbm>> -> memref<1x32768xf32, #tpu.memory_space<hbm>>
    %dma_wait3A_120 = tpu.memref_squeeze %dma_wait3A_119 : memref<1x32768xf32, #tpu.memory_space<hbm>> -> memref<32768xf32, #tpu.memory_space<hbm>>
    %dma_wait3A_121 = arith.constant 0 : i32
    %dma_wait3A_122 = tpu.memref_slice %arg4[%dma_wait3A_121] : memref<32784xf32, #tpu.memory_space<vmem>> -> memref<32768xf32, #tpu.memory_space<vmem>>
    tpu.wait_dma2 semaphore(%arg7 : memref<!tpu.dma_semaphore, #tpu.memory_space<semaphore_mem>>) src(%dma_wait3A_122 : memref<32768xf32, #tpu.memory_space<vmem>>) dst(%dma_wait3A_120 : memref<32768xf32, #tpu.memory_space<hbm>>)
    %add3A_123 = arith.constant 64 : i32
    %add3A_124 = arith.addi %mul3A_2, %add3A_123 : i32
    %sub3A_125 = arith.constant 1 : i32
    %sub3A_126 = arith.subi %add3A_124, %sub3A_125 : i32
    %dma_wait3A_127 = arith.constant 0 : i32
    %dma_wait3A_128 = tpu.memref_slice %arg5[%dma_wait3A_127] : memref<32784xf32, #tpu.memory_space<vmem>> -> memref<32768xf32, #tpu.memory_space<vmem>>
    %dma_wait3A_129 = arith.constant 0 : i32
    %dma_wait3A_130 = tpu.memref_slice %arg3[%sub3A_126, %dma_wait3A_129] : memref<2048x32768xf32, #tpu.memory_space<hbm>> -> memref<1x32768xf32, #tpu.memory_space<hbm>>
    %dma_wait3A_131 = tpu.memref_squeeze %dma_wait3A_130 : memref<1x32768xf32, #tpu.memory_space<hbm>> -> memref<32768xf32, #tpu.memory_space<hbm>>
    %dma_wait3A_132 = arith.constant 0 : i32
    %dma_wait3A_133 = tpu.memref_slice %arg3[%sub3A_126, %dma_wait3A_132] : memref<2048x32768xf32, #tpu.memory_space<hbm>> -> memref<1x32768xf32, #tpu.memory_space<hbm>>
    %dma_wait3A_134 = tpu.memref_squeeze %dma_wait3A_133 : memref<1x32768xf32, #tpu.memory_space<hbm>> -> memref<32768xf32, #tpu.memory_space<hbm>>
    %dma_wait3A_135 = arith.constant 0 : i32
    %dma_wait3A_136 = tpu.memref_slice %arg5[%dma_wait3A_135] : memref<32784xf32, #tpu.memory_space<vmem>> -> memref<32768xf32, #tpu.memory_space<vmem>>
    tpu.wait_dma2 semaphore(%arg8 : memref<!tpu.dma_semaphore, #tpu.memory_space<semaphore_mem>>) src(%dma_wait3A_136 : memref<32768xf32, #tpu.memory_space<vmem>>) dst(%dma_wait3A_134 : memref<32768xf32, #tpu.memory_space<hbm>>)
    return
  }
}

module attributes {stable_mosaic.version = 14 : i64} {
  func.func @_offsets_body(%arg0: i32, %arg1: memref<1024x1024xf32, #tpu.memory_space<vmem>>, %arg2: memref<1024x256xf32, #tpu.memory_space<vmem>>, %arg3: memref<1x256xf32, #tpu.memory_space<vmem>>, %arg4: memref<1024x2x256xi32, #tpu.memory_space<vmem>>) attributes {dimension_semantics = [#tpu.dimension_semantics<arbitrary>], iteration_bounds = array<i64: 1>, scalar_prefetch = 0 : i64, scratch_operands = 0 : i64, tpu.core_type = #tpu.core_type<tc>, window_params = [{pipeline_mode = #tpu.pipeline_mode<synchronous>, transform_indices = @transform_0, window_bounds = array<i64: 1024, 1024>}, {pipeline_mode = #tpu.pipeline_mode<synchronous>, transform_indices = @transform_1, window_bounds = array<i64: 1024, 256>}, {pipeline_mode = #tpu.pipeline_mode<synchronous>, transform_indices = @transform_2, window_bounds = array<i64: 1, 256>}, {pipeline_mode = #tpu.pipeline_mode<synchronous>, transform_indices = @transform_3, window_bounds = array<i64: 1024, 2, 256>}]} {
    %get3A = arith.constant 0 : index
    %get3A_0 = arith.constant 0 : index
    %get3A_1 = vector.load %arg1[%get3A, %get3A_0] : memref<1024x1024xf32, #tpu.memory_space<vmem>>, vector<1024x1024xf32>
    %get3A_2 = arith.constant 0 : index
    %get3A_3 = arith.constant 0 : index
    %get3A_4 = vector.load %arg2[%get3A_2, %get3A_3] : memref<1024x256xf32, #tpu.memory_space<vmem>>, vector<1024x256xf32>
    %dot_general3A = arith.constant dense<0.000000e+00> : vector<1024x256xf32>
    %dot_general3A_5 = tpu.matmul %get3A_1, %get3A_4, %dot_general3A {dimension_numbers = #tpu.dot_dimension_numbers<[1], [0], [0], [1], [0, 0, 1, 1], [], []>, transpose_lhs_hint = false} : vector<1024x1024xf32>, vector<1024x256xf32>, vector<1024x256xf32> -> vector<1024x256xf32>
    %get3A_6 = arith.constant 0 : index
    %get3A_7 = arith.constant 0 : index
    %get3A_8 = vector.load %arg3[%get3A_6, %get3A_7] : memref<1x256xf32, #tpu.memory_space<vmem>>, vector<1x256xf32>
    %add3A = vector.broadcast %get3A_8 : vector<1x256xf32> to vector<1024x256xf32>
    %add3A_9 = arith.addf %dot_general3A_5, %add3A : vector<1024x256xf32>
    %logistic3A = arith.negf %add3A_9 : vector<1024x256xf32>
    %logistic3A_10 = math.exp %logistic3A : vector<1024x256xf32>
    %logistic3A_11 = arith.constant 1.000000e+00 : f32
    %logistic3A_12 = vector.broadcast %logistic3A_11 : f32 to vector<1024x256xf32>
    %logistic3A_13 = arith.addf %logistic3A_12, %logistic3A_10 : vector<1024x256xf32>
    %logistic3A_14 = arith.divf %logistic3A_12, %logistic3A_13 : vector<1024x256xf32>
    %sub3A = arith.constant 1.000000e+00 : f32
    %sub3A_15 = vector.broadcast %sub3A : f32 to vector<1024x256xf32>
    %sub3A_16 = arith.subf %sub3A_15, %logistic3A_14 : vector<1024x256xf32>
    %mul3A = arith.constant 232.72728 : f32
    %mul3A_17 = vector.broadcast %mul3A : f32 to vector<1024x256xf32>
    %mul3A_18 = arith.mulf %sub3A_16, %mul3A_17 : vector<1024x256xf32>
    %convert_element_type3A = arith.fptosi %mul3A_18 : vector<1024x256xf32> to vector<1024x256xi32>
    %jit3A = arith.constant 0 : i32
    %jit3A_19 = arith.constant 255 : i32
    %max3A = vector.broadcast %jit3A : i32 to vector<1024x256xi32>
    %max3A_20 = arith.maxsi %max3A, %convert_element_type3A : vector<1024x256xi32>
    %min3A = vector.broadcast %jit3A_19 : i32 to vector<1024x256xi32>
    %min3A_21 = arith.minsi %min3A, %max3A_20 : vector<1024x256xi32>
    %iota3A = tpu.iota {dimensions = array<i32: 1>} : vector<1024x256xi32>
    %and3A = arith.constant 15 : i32
    %and3A_22 = vector.broadcast %and3A : i32 to vector<1024x256xi32>
    %and3A_23 = arith.andi %iota3A, %and3A_22 : vector<1024x256xi32>
    %add3A_24 = arith.constant 32768 : i32
    %add3A_25 = vector.broadcast %add3A_24 : i32 to vector<1024x256xi32>
    %add3A_26 = arith.addi %add3A_25, %and3A_23 : vector<1024x256xi32>
    %lt3A = arith.constant 128 : i32
    %lt3A_27 = vector.broadcast %lt3A : i32 to vector<1024x256xi32>
    %lt3A_28 = arith.cmpi slt, %min3A_21, %lt3A_27 : vector<1024x256xi32>
    %mul3A_29 = arith.constant 256 : i32
    %mul3A_30 = vector.broadcast %mul3A_29 : i32 to vector<1024x256xi32>
    %mul3A_31 = arith.muli %min3A_21, %mul3A_30 : vector<1024x256xi32>
    %add3A_32 = arith.addi %mul3A_31, %iota3A : vector<1024x256xi32>
    %select_n3A = arith.select %lt3A_28, %add3A_32, %add3A_26 : vector<1024x256xi1>, vector<1024x256xi32>
    %sub3A_33 = arith.constant 128 : i32
    %sub3A_34 = vector.broadcast %sub3A_33 : i32 to vector<1024x256xi32>
    %sub3A_35 = arith.subi %min3A_21, %sub3A_34 : vector<1024x256xi32>
    %mul3A_36 = arith.constant 256 : i32
    %mul3A_37 = vector.broadcast %mul3A_36 : i32 to vector<1024x256xi32>
    %mul3A_38 = arith.muli %sub3A_35, %mul3A_37 : vector<1024x256xi32>
    %add3A_39 = arith.addi %mul3A_38, %iota3A : vector<1024x256xi32>
    %select_n3A_40 = arith.select %lt3A_28, %add3A_26, %add3A_39 : vector<1024x256xi1>, vector<1024x256xi32>
    %stack3A = vector.shape_cast %select_n3A : vector<1024x256xi32> to vector<1024x1x256xi32>
    %stack3A_41 = vector.shape_cast %select_n3A_40 : vector<1024x256xi32> to vector<1024x1x256xi32>
    %stack3A_42 = tpu.concatenate %stack3A, %stack3A_41 in 1 : vector<1024x1x256xi32>, vector<1024x1x256xi32> -> vector<1024x2x256xi32>
    %swap3A = arith.constant 0 : index
    %swap3A_43 = arith.constant 0 : index
    %swap3A_44 = arith.constant 0 : index
    %swap3A_45 = vector.load %arg4[%swap3A, %swap3A_43, %swap3A_44] : memref<1024x2x256xi32, #tpu.memory_space<vmem>>, vector<1024x2x256xi32>
    tpu.vector_store %arg4[%swap3A, %swap3A_43, %swap3A_44], %stack3A_42 {strides = array<i32>} : memref<1024x2x256xi32, #tpu.memory_space<vmem>>, vector<1024x2x256xi32>,
    return
  }
  func.func @transform_0(%arg0: i32) -> (i32, i32) {
    %c0_i32 = arith.constant 0 : i32
    %c0_i32_0 = arith.constant 0 : i32
    %c0_i32_1 = arith.constant 0 : i32
    return %c0_i32, %c0_i32_0 : i32, i32
  }
  func.func @transform_1(%arg0: i32) -> (i32, i32) {
    %c0_i32 = arith.constant 0 : i32
    %c0_i32_0 = arith.constant 0 : i32
    %c0_i32_1 = arith.constant 0 : i32
    return %c0_i32, %c0_i32_0 : i32, i32
  }
  func.func @transform_2(%arg0: i32) -> (i32, i32) {
    %c0_i32 = arith.constant 0 : i32
    %c0_i32_0 = arith.constant 0 : i32
    %c0_i32_1 = arith.constant 0 : i32
    return %c0_i32, %c0_i32_0 : i32, i32
  }
  func.func @transform_3(%arg0: i32) -> (i32, i32, i32) {
    %c0_i32 = arith.constant 0 : i32
    %c0_i32_0 = arith.constant 0 : i32
    %c0_i32_1 = arith.constant 0 : i32
    %c0_i32_2 = arith.constant 0 : i32
    return %c0_i32, %c0_i32_0, %c0_i32_1 : i32, i32, i32
  }
}

</mosaic_0001>

<sc_bundles>
// kernel: kernel.4.cloned.1.call-start
scs
__scs_entry_jumppad:
0x0: {  	(pc) =	sbr.rel $0x88, $3  }
0x1: {  	(tag) =	ssettag $0x0;
	lr =	simm.s32 $0x1  }
0x2: {  	[smem:$0x3F9E] =	sst lr;
	_ =	strace $0xD0000000  }
0x3: {  	_ = 	snop  }
0x4: {  	_ = 	snop  }
0x5: {  	_ = 	snop  }
0x6: {  	_ = 	snop  }
0x7: {  	_ = 	snop  }
__scs_overlays_trampoline_lowered:
0x8: {  	[smem:$0x3FAD] =	sst s0  }
0x9: {  	[smem:$0x3FAE] =	sst s1  }
0xa: {  	[smem:$0x3FAF] =	sst s2  }
0xb: {  	[smem:$0x3FB0] =	sst s3  }
0xc: {  	[smem:$0x3FB1] =	sst s4  }
0xd: {  	[smem:$0x3FB2] =	sst s5  }
0xe: {  	[smem:$0x3FB3] =	sst s6  }
0xf: {  	[smem:$0x3FB4] =	sst s7  }
0x10: {  	[smem:$0x3FB5] =	sst s8  }
0x11: {  	[smem:$0x3FB6] =	sst s9;
	s0 =	simm.s32 @!p0 $0x0  }
0x12: {  	s1 =	sld [smem:$0x3F9C];
	s0 =	simm.s32 @p0 $0x1  }
0x13: {  	[smem:$0x3FB7] =	sst s0;
	s0 =	simm.s32 @!p1 $0x0  }
0x14: {  	s2 =	sld [smem:$0x3F9B];
	s0 =	simm.s32 @p1 $0x1  }
0x15: {  	[smem:$0x3FB8] =	sst s0;
	s0 =	simm.s32 @!p2 $0x0  }
0x16: {  	s3 =	sld [smem:$0x3FDB];
	s0 =	simm.s32 @p2 $0x1  }
0x17: {  	s4 =	simm.s32 $0x1BF5;
	[smem:$0x3FBA] =	sst s0  }
0x18: {  	s0 =	sld [smem:$0x3F9D];
	_ =	swait.ge [sflag:s4], $0x0  }
0x19: {  	s7 =	sld [smem:$0x3F9E]  }
0x1a: {  	s8 =	sadd.s32 $0xFFFFE003, lr  }
0x1b: {  	s9 =	sadd.s32 $0xFFFFFEF7, lr;
	s5 =	simm.s32 $0xFFFFFFFF;
	p2 =	slt.u32 s8, $0xFFFFF086  }
0x1c: {  	p1 =	slt.u32 s9, $0xF7A;
	s5 =	simm.s32 @!p2 $0x0  }
0x1d: {  	s5 =	simm.s32 @p1 $0x1;
	p0 =	seq.s32 s7, s2  }
0x1e: {  	s7 =	smul.u32 @!p0 $0xF7A, s2;
	p2 =	seq.s32 @!p0 s5, $0x0  }
0x1f: {  	s9 =	smul.u32 $0xF7A, s1;
	s8 =	simm.s32 @!p0 $0x1BF5;
	p2 =	por !p2, p0  }
0x20: {  	[sflag:s8] =	ssyncset.s32 @!p0 $0xFFFFF086;
	s6 =	sadd.s32 @!p0 s3, s7;
	s7 =	simm.s32 @!p0 $0x108  }
0x21: {  	s3 =	sadd.s32 s3, s9;
	s6 =	sadd.s32 @!p0 $0x88, s6;
	s7 =	simm.s32 @p2 $0x1082  }
0x22: {  	[simem:s7], [sflag:s8] =	dma.local @!p0 [hbm:s6], $0xF7A  }
0x23: {  	s9 =	sor.u32 $0xD0000000, s2;
	s6 =	simm.s32 $0x108;
	_ =	swait.ge @!p0 [sflag:s8], $0x0  }
0x24: {  	s3 =	sadd.s32 $0x88, s3;
	s6 =	simm.s32 @!p1 $0x1082;
	[sflag:s4] =	ssyncset.s32 $0xFFFFF086  }
0x25: {  	[simem:s6], [sflag:s4] =	dma.local [hbm:s3], $0xF7A  }
0x26: {  	[smem:$0x3F9E] =	sst s1;
	(tag) =	ssettag s2;
	_ =	strace s9  }
0x27: {  	s1 =	sld [smem:$0x3FAE]  }
0x28: {  	s2 =	sld [smem:$0x3FAF]  }
0x29: {  	s4 =	sld [smem:$0x3FB1]  }
0x2a: {  	p0 =	seq.s32 s5, $0x0;
	s5 =	sld [smem:$0x3FB2]  }
0x2b: {  	s6 =	sld [smem:$0x3FB3]  }
0x2c: {  	s7 =	sld [smem:$0x3FB4]  }
0x2d: {  	s3 =	simm.s32 $0x108;
	s8 =	sld [smem:$0x3FB5]  }
0x2e: {  	s3 =	simm.s32 @!p0 $0x1082;
	s9 =	sld [smem:$0x3FB6]  }
0x2f: {  	lr =	sadd.s32 s0, s3;
	s0 =	sld [smem:$0x3FAD]  }
0x30: {  	s3 =	sld [smem:$0x3FB0]  }
0x31: {  	[smem:$0x3FB9] =	sst s10  }
0x32: {  	s10 =	sld [smem:$0x3FB7];
	_ =	sdelay $0x3  }
0x33: {  	p0 =	seq.s32 s10, $0x1;
	s10 =	sld [smem:$0x3FB9];
	_ =	sdelay $0x3  }
0x34: {  	[smem:$0x3FB9] =	sst s10  }
0x35: {  	s10 =	sld [smem:$0x3FB8];
	_ =	sdelay $0x3  }
0x36: {  	p1 =	seq.s32 s10, $0x1;
	s10 =	sld [smem:$0x3FB9];
	_ =	sdelay $0x3  }
0x37: {  	[smem:$0x3FB9] =	sst s10  }
0x38: {  	s10 =	sld [smem:$0x3FBA]  }
0x39: {  	_ = 	snop;
	(pc) =	sbr.ind lr, $3  }
0x3a: {  	_ = 	snop  }
0x3b: {  	_ = 	snop  }
0x3c: {  	p2 =	seq.s32 s10, $0x1;
	s10 =	sld [smem:$0x3FB9]  }
0x3d: {  	_ =	shalt  }
0x3e: {  	_ =	shalt  }
0x3f: {  	_ =	shalt  }
0x40: {  	_ =	shalt  }
0x41: {  	_ =	shalt  }
0x42: {  	_ =	shalt  }
0x43: {  	_ =	shalt  }
0x44: {  	_ =	shalt  }
0x45: {  	_ =	shalt  }
0x46: {  	_ =	shalt  }
0x47: {  	_ =	shalt  }
0x48: {  	_ =	shalt  }
0x49: {  	_ =	shalt  }
0x4a: {  	_ =	shalt  }
0x4b: {  	_ =	shalt  }
0x4c: {  	_ =	shalt  }
0x4d: {  	_ =	shalt  }
0x4e: {  	_ =	shalt  }
0x4f: {  	_ =	shalt  }
0x50: {  	_ =	shalt  }
0x51: {  	_ =	shalt  }
0x52: {  	_ =	shalt  }
0x53: {  	_ =	shalt  }
0x54: {  	_ =	shalt  }
0x55: {  	_ =	shalt  }
0x56: {  	_ =	shalt  }
0x57: {  	_ =	shalt  }
0x58: {  	_ =	shalt  }
0x59: {  	_ =	shalt  }
0x5a: {  	_ =	shalt  }
0x5b: {  	_ =	shalt  }
0x5c: {  	_ =	shalt  }
0x5d: {  	_ =	shalt  }
0x5e: {  	_ =	shalt  }
0x5f: {  	_ =	shalt  }
0x60: {  	_ =	shalt  }
0x61: {  	_ =	shalt  }
0x62: {  	_ =	shalt  }
0x63: {  	_ =	shalt  }
0x64: {  	_ =	shalt  }
0x65: {  	_ =	shalt  }
0x66: {  	_ =	shalt  }
0x67: {  	_ =	shalt  }
0x68: {  	_ =	shalt  }
0x69: {  	_ =	shalt  }
0x6a: {  	_ =	shalt  }
0x6b: {  	_ =	shalt  }
0x6c: {  	_ =	shalt  }
0x6d: {  	_ =	shalt  }
0x6e: {  	_ =	shalt  }
0x6f: {  	_ =	shalt  }
0x70: {  	_ =	shalt  }
0x71: {  	_ =	shalt  }
0x72: {  	_ =	shalt  }
0x73: {  	_ =	shalt  }
0x74: {  	_ =	shalt  }
0x75: {  	_ =	shalt  }
0x76: {  	_ =	shalt  }
0x77: {  	_ =	shalt  }
0x78: {  	_ =	shalt  }
0x79: {  	_ =	shalt  }
0x7a: {  	_ =	shalt  }
0x7b: {  	_ =	shalt  }
0x7c: {  	_ =	shalt  }
0x7d: {  	_ =	shalt  }
0x7e: {  	_ =	shalt  }
0x7f: {  	_ =	shalt  }
0x80: {  	_ =	shalt  }
0x81: {  	_ =	shalt  }
0x82: {  	_ =	shalt  }
0x83: {  	_ =	shalt  }
0x84: {  	_ =	shalt  }
0x85: {  	_ =	shalt  }
0x86: {  	_ =	shalt  }
0x87: {  	_ =	shalt  }
.Lfunc_end0:
.L_simem_size_0:
called_computation_lowered:
.L_overlay_start_0:
0x88: {  	s2 =	sld [smem:$0x3FD9]  }
0x89: {  	s3 =	sld [smem:$0x3FFE];
	_ =	sdelay $0x1  }
0x8a: {  	s1 =	srdreg.scid  }
0x8b: {  	s0 =	sand.u32 $0x1, s1  }
0x8c: {  	s17 =	sshll.u32 s0, $0xA;
	s2 =	sadd.s32 s3, s2  }
0x8d: {  	s2 =	sadd.s32 s2, s17  }
0x8e: {  	[smem:$0x3FC5] =	sst s2  }
0x8f: {  	_ = 	snop  }
0x90: {  	s2 =	sld [smem:$0x3FD0];
	(tm) =	ssettm $0x1  }
0x91: {  	s18 =	sld [smem:$0x3FFB];
	_ =	sdelay $0x3  }
0x92: {  	_ =	strace s18  }
0x93: {  	s3 =	sld [smem:$0x3FFC];
	_ =	sdelay $0x3  }
0x94: {  	_ =	strace s3  }
0x95: {  	s3 =	sld [smem:$0x3FFD];
	_ =	sdelay $0x3  }
0x96: {  	_ =	strace s3  }
0x97: {  	_ =	strace $0x8FFFFFFF  }
0x98: {  	s19 =	sld [smem:$0x3FDB];
	_ =	sdelay $0x1  }
0x99: {  	s4 =	simm.s32 $_scs_section_size  }
0x9a: {  	s5 =	simm.s32 $_size__tile_overlayer_lowered;
	s6 =	simm.s32 $_tile_overlayer_lowered  }
0x9b: {  	s22 =	simm.s32 $0x1BFF;
	s21 =	sshll.u32 s6, $0x1;
	s3 =	sadd.s32 s4, s19  }
0x9c: {  	s7 =	simm.s32 $0x0;
	s20 =	sshll.u32 s5, $0x1;
	s5 =	sadd.s32 s21, s3  }
0x9d: {  	[timem:s7], [sflag:s22] =	dma.local [hbm:s5], s20  }
0x9e: {  	_ =	swait.ge [sflag:s22], s20  }
0x9f: {  	s4 =	ssub.s32 $0x0, s20;
	[sflag:s22] =	ssyncset.done $0x0  }
0xa0: {  	[sflag:s22] =	ssyncadd.s32 s4;
	_ =	sdelay $0x1  }
0xa1: {  	s23 =	simm.s32 $0x1B8B  }
0xa2: {  	_ =	swait.ge [sflag:s23], $0x1  }
0xa3: {  	[sflag:s23] =	ssyncset.done $0x0  }
0xa4: {  	s25 =	simm.s32 $0x1B8E;
	s24 =	sld [smem:$0x3FFE];
	[sflag:s23] =	ssyncadd.s32 $0xFFFFFFFF  }
0xa5: {  	s26 =	simm.s32 $execute0_lowered;
	[smem:$0x3FD2] =	sst s25  }
0xa6: {  	s5 =	sshll.u32 s26, $0x1;
	_ =	strace $0x80000046;
	[dreg:$0x1] =	wrdreg $0xFFFFFFFF  }
0xa7: {  	s28 =	simm.s32 $_size_execute0_lowered;
	s3 =	sadd.s32 s3, s5;
	[dreg:$0x0] =	wrdreg $0x0  }
0xa8: {  	s5 =	sshll.u32 s28, $0x1;
	[dreg:$0x2] =	wrdreg s3  }
0xa9: {  	[dreg:$0x3] =	wrdreg s5  }
0xaa: {  	[dreg:$0x4] =	wrdreg $0xC0  }
0xab: {  	_ =	task [dreg:s7], $0x5FFFF  }
0xac: {  	[dreg:$0x1] =	wrdreg $0xFFFFFFFF  }
0xad: {  	[dreg:$0x0] =	wrdreg $0x60  }
0xae: {  	[dreg:$0x2] =	wrdreg s2  }
0xaf: {  	[dreg:$0x3] =	wrdreg s24  }
0xb0: {  	[dreg:$0x4] =	wrdreg $0x9  }
0xb1: {  	_ =	task.clear_ibuf [dreg:s7], $0x5FFFF;
	_ =	strace $0x90000046  }
0xb2: {  	s29 =	simm.s32 $0x9;
	_ =	strace $0x80000048  }
0xb3: {  	_ =	swait.ge [sflag:s29], $0x1  }
0xb4: {  	[sflag:s29] =	ssyncadd.s32 $0xFFFFFFFF  }
0xb5: {  	_ =	strace $0x90000048  }
0xb6: {  	_ =	sfence  }
0xb7: {  	s30 =	sld [smem:$0x0];
	_ =	sdelay $0x2  }
0xb8: {  	s31 =	sshll.u32 s1, $0xD;
	s1 =	sshrl.u32 s1, $0x2  }
0xb9: {  	s3 =	sand.u32 $0x4000, s31;
	s1 =	sadd.s32 s1, s30  }
0xba: {  	s0 =	sor.u32 s3, s0;
	s1 =	sshll.u32 s1, $0x11  }
0xbb: {  	s0 =	sor.u32 s1, s0  }
0xbc: {  	s0 =	sadd.s32 $0x8F2B, s0  }
0xbd: {  	[sflag:s0] =	ssyncadd.remote.s32 $0x1  }
0xbe: {  	_ =	sfence.sel $0xFFFF  }
0xbf: {  	[dreg:$0x0] =	wrdreg $0xFFFFFFFF;
	(pc) =	sbr.abs _section_cstart, $3  }
0xc0: {  	[dreg:$0x1] =	wrdreg $0xFFFFFFFF  }
0xc1: {  	_ =	task.clear_ibuf [dreg:s7], $0x2FFFF;
	_ =	strace $0x9FFFFFFF  }
0xc2: {  	(tm) =	ssettm $0x7FFFFFFF  }
0xc3: {  	_ =	shalt  }
tec
execute0_lowered:
.L_overlay_start_1:
0x0: {  	(tag) =	ssettag $0x1  }
0x1: {  	s6 =	rddreg [dreg:$0x0]  }
0x2: {  	s3 =	rddreg [dreg:$0x1]  }
0x3: {  	s0 =	rddreg [dreg:$0x2];
	s2 =	simm.s32 $0x0;
	s4 =	srdreg.scid  }
0x4: {  	s1 =	stileid.u32;
	s10 =	simm.s32 $0x3;
	s11 =	simm.s32 $0x80  }
0x5: {  	s12 =	simm.s32 $0x400;
	s13 =	simm.s32 $0x8080;
	s14 =	simm.s32 $0x1  }
0x6: {  	s15 =	simm.s32 $0x2;
	s16 =	simm.s32 $0x0;
	[smem:$0x7FF] =	sst s2  }
0x7: {  	s4 =	sand.u32 $0x1, s4;
	s5 =	sshll.u32 s1, $0x1;
	s3 =	sadd.s32 $0x800, s3  }
0x8: {  	_ =	strace $0x80000047;
	s5 =	sor.u32 s4, s5;
	s7 =	ssub.s32 $0x2, s4  }
0x9: {  	s4 =	sshll.u32 s5, $0x12;
	s8 =	sshrl.u32 s7, $0x1;
	s9 =	sshll.u32 s5, $0xB  }
0xa: {  	s5 =	sadd.s32 s3, s4;
	s8 =	ssub.s32 s7, s8;
	s6 =	sadd.s32 s6, s9  }
0xb: {  	v0 =	vimm.f32 $0.0e+00;
	v1 =	vimm.f32 $1.000000000e+00;
	s9 =	simm.s32 $0x10100;
	s7 =	sadd.s32 $0x10, s5;
	s8 =	smax.u32 s8, $0x1  }
.LBB2_1:
0xc: {  	[tilespmem:s9], [sflag:$0x3] =	stream.linear.gather [hbm4b:s6+s2], $0x4000, $0x38;
	[tilespmem:$0x14100] =	vst v63  }
0xd: {  	_ =	swait.ge [sflag:s10], $0x4000  }
0xe: {  	[sflag:s10] =	ssyncset.done $0x0  }
0xf: {  	s17 =	simm.s32 $0x0;
	[sflag:s10] =	ssyncadd.s32 $0xFFFFC000  }
.LBB2_2:
0x10: {  	p0 =	sne.s32 s17, $0x20000  }
.Ltmp0:
0x11: {  	_ = 	snop;
	(pc) =	sbr.rel @p0 .LBB2_2-.Ltmp0, $3  }
0x12: {  	_ =	sdelay $0x1  }
0x13: {  	s18 =	sshra.s32 s17, $0x2  }
0x14: {  	s17 =	sadd.s32 $0x40, s17;
	[tilespmem:s18+$0x0] =	vst v0  }
0x15: {  	s17 =	simm.s32 $0x40;
	s18 =	simm.s32 $0x0  }
.LBB2_4:
0x16: {  	p0 =	sne.s32 s17, $0x20000;
	[tilespmem:s18+$0x8080] =	vst v0;
	s18 =	smov.u32 s17;
	s17 =	sadd.s32 $0x40, s17  }
.Ltmp1:
0x17: {  	(pc) =	sbr.rel @p0 .LBB2_4-.Ltmp1, $2  }
0x18: {  	_ =	sdelay $0x2  }
0x19: {  	s18 =	sshra.s32 s18, $0x2  }
0x1a: {  	[tilespmem:s18+$0x8080] =	vst v0  }
0x1b: {  	v2 =	vld [tilespmem:$0x10100];
	_ =	sdelay $0x7  }
0x1c: {  	[tilespmem:v2+s2+$0x0] =	vst.idx.msk $0xffff, v1  }
0x1d: {  	v2 =	vld [tilespmem:$0x10110];
	_ =	sdelay $0x7  }
0x1e: {  	[tilespmem:v2+s2+$0x0] =	vst.idx.msk $0xffff, v1  }
0x1f: {  	v2 =	vld [tilespmem:$0x10120];
	_ =	sdelay $0x7  }
0x20: {  	[tilespmem:v2+s2+$0x0] =	vst.idx.msk $0xffff, v1  }
0x21: {  	v2 =	vld [tilespmem:$0x10130];
	_ =	sdelay $0x7  }
0x22: {  	[tilespmem:v2+s2+$0x0] =	vst.idx.msk $0xffff, v1  }
0x23: {  	v2 =	vld [tilespmem:$0x10140];
	_ =	sdelay $0x7  }
0x24: {  	[tilespmem:v2+s2+$0x0] =	vst.idx.msk $0xffff, v1  }
0x25: {  	v2 =	vld [tilespmem:$0x10150];
	_ =	sdelay $0x7  }
0x26: {  	[tilespmem:v2+s2+$0x0] =	vst.idx.msk $0xffff, v1  }
0x27: {  	v2 =	vld [tilespmem:$0x10160];
	_ =	sdelay $0x7  }
0x28: {  	[tilespmem:v2+s2+$0x0] =	vst.idx.msk $0xffff, v1  }
0x29: {  	v2 =	vld [tilespmem:$0x10170];
	_ =	sdelay $0x7  }
0x2a: {  	[tilespmem:v2+s2+$0x0] =	vst.idx.msk $0xffff, v1  }
0x2b: {  	v2 =	vld [tilespmem:$0x10180];
	_ =	sdelay $0x7  }
0x2c: {  	[tilespmem:v2+s2+$0x0] =	vst.idx.msk $0xffff, v1  }
0x2d: {  	v2 =	vld [tilespmem:$0x10190];
	_ =	sdelay $0x7  }
0x2e: {  	[tilespmem:v2+s2+$0x0] =	vst.idx.msk $0xffff, v1  }
0x2f: {  	v2 =	vld [tilespmem:$0x101A0];
	_ =	sdelay $0x7  }
0x30: {  	[tilespmem:v2+s2+$0x0] =	vst.idx.msk $0xffff, v1  }
0x31: {  	v2 =	vld [tilespmem:$0x101B0];
	_ =	sdelay $0x7  }
0x32: {  	[tilespmem:v2+s2+$0x0] =	vst.idx.msk $0xffff, v1  }
0x33: {  	v2 =	vld [tilespmem:$0x101C0];
	_ =	sdelay $0x7  }
0x34: {  	[tilespmem:v2+s2+$0x0] =	vst.idx.msk $0xffff, v1  }
0x35: {  	v2 =	vld [tilespmem:$0x101D0];
	_ =	sdelay $0x7  }
0x36: {  	[tilespmem:v2+s2+$0x0] =	vst.idx.msk $0xffff, v1  }
0x37: {  	v2 =	vld [tilespmem:$0x101E0];
	_ =	sdelay $0x7  }
0x38: {  	[tilespmem:v2+s2+$0x0] =	vst.idx.msk $0xffff, v1  }
0x39: {  	v2 =	vld [tilespmem:$0x101F0];
	_ =	sdelay $0x7  }
0x3a: {  	[tilespmem:v2+s2+$0x0] =	vst.idx.msk $0xffff, v1  }
0x3b: {  	[hbm4b:s5+s11] =	stream.strided.scatter [tilespmem:s2], [sflag:$0x1], $0x8000, s12, s11, $0x38;
	[tilespmem:$0x14100] =	vst v63  }
0x3c: {  	v2 =	vld [tilespmem:$0x10200];
	_ =	sdelay $0x7  }
0x3d: {  	[tilespmem:v2+s13+$0x0] =	vst.idx.msk $0xffff, v1  }
0x3e: {  	v2 =	vld [tilespmem:$0x10210];
	_ =	sdelay $0x7  }
0x3f: {  	[tilespmem:v2+s13+$0x0] =	vst.idx.msk $0xffff, v1  }
0x40: {  	v2 =	vld [tilespmem:$0x10220];
	_ =	sdelay $0x7  }
0x41: {  	[tilespmem:v2+s13+$0x0] =	vst.idx.msk $0xffff, v1  }
0x42: {  	v2 =	vld [tilespmem:$0x10230];
	_ =	sdelay $0x7  }
0x43: {  	[tilespmem:v2+s13+$0x0] =	vst.idx.msk $0xffff, v1  }
0x44: {  	v2 =	vld [tilespmem:$0x10240];
	_ =	sdelay $0x7  }
0x45: {  	[tilespmem:v2+s13+$0x0] =	vst.idx.msk $0xffff, v1  }
0x46: {  	v2 =	vld [tilespmem:$0x10250];
	_ =	sdelay $0x7  }
0x47: {  	[tilespmem:v2+s13+$0x0] =	vst.idx.msk $0xffff, v1  }
0x48: {  	v2 =	vld [tilespmem:$0x10260];
	_ =	sdelay $0x7  }
0x49: {  	[tilespmem:v2+s13+$0x0] =	vst.idx.msk $0xffff, v1  }
0x4a: {  	v2 =	vld [tilespmem:$0x10270];
	_ =	sdelay $0x7  }
0x4b: {  	[tilespmem:v2+s13+$0x0] =	vst.idx.msk $0xffff, v1  }
0x4c: {  	v2 =	vld [tilespmem:$0x10280];
	_ =	sdelay $0x7  }
0x4d: {  	[tilespmem:v2+s13+$0x0] =	vst.idx.msk $0xffff, v1  }
0x4e: {  	v2 =	vld [tilespmem:$0x10290];
	_ =	sdelay $0x7  }
0x4f: {  	[tilespmem:v2+s13+$0x0] =	vst.idx.msk $0xffff, v1  }
0x50: {  	v2 =	vld [tilespmem:$0x102A0];
	_ =	sdelay $0x7  }
0x51: {  	[tilespmem:v2+s13+$0x0] =	vst.idx.msk $0xffff, v1  }
0x52: {  	v2 =	vld [tilespmem:$0x102B0];
	_ =	sdelay $0x7  }
0x53: {  	[tilespmem:v2+s13+$0x0] =	vst.idx.msk $0xffff, v1  }
0x54: {  	v2 =	vld [tilespmem:$0x102C0];
	_ =	sdelay $0x7  }
0x55: {  	[tilespmem:v2+s13+$0x0] =	vst.idx.msk $0xffff, v1  }
0x56: {  	v2 =	vld [tilespmem:$0x102D0];
	_ =	sdelay $0x7  }
0x57: {  	[tilespmem:v2+s13+$0x0] =	vst.idx.msk $0xffff, v1  }
0x58: {  	v2 =	vld [tilespmem:$0x102E0];
	_ =	sdelay $0x7  }
0x59: {  	[tilespmem:v2+s13+$0x0] =	vst.idx.msk $0xffff, v1  }
0x5a: {  	v2 =	vld [tilespmem:$0x102F0];
	_ =	sdelay $0x7  }
0x5b: {  	s17 =	simm.s32 $0x2000;
	s18 =	simm.s32 $0x30;
	s19 =	simm.s32 $0x10300;
	[tilespmem:v2+s13+$0x0] =	vst.idx.msk $0xffff, v1  }
0x5c: {  	[hbm4b:s7+s11] =	stream.strided.scatter [tilespmem:s13], [sflag:$0x2], $0x8000, s12, s11, $0x38;
	[tilespmem:$0x14100] =	vst v63  }
.LBB2_6:
0x5d: {  	_ =	swait.ge [sflag:s14], $0x8000  }
0x5e: {  	[sflag:s14] =	ssyncset.done $0x0  }
0x5f: {  	[sflag:s14] =	ssyncadd.s32 $0xFFFF8000  }
0x60: {  	v2 =	vld [tilespmem:s19+$0xFFFFFE00];
	_ =	sdelay $0x7  }
0x61: {  	[tilespmem:v2+s2+$0x0] =	vst.idx.msk $0xffff, v0  }
0x62: {  	v2 =	vld [tilespmem:s19+$0xFFFFFE10];
	_ =	sdelay $0x7  }
0x63: {  	[tilespmem:v2+s2+$0x0] =	vst.idx.msk $0xffff, v0  }
0x64: {  	v2 =	vld [tilespmem:s19+$0xFFFFFE20];
	_ =	sdelay $0x7  }
0x65: {  	[tilespmem:v2+s2+$0x0] =	vst.idx.msk $0xffff, v0  }
0x66: {  	v2 =	vld [tilespmem:s19+$0xFFFFFE30];
	_ =	sdelay $0x7  }
0x67: {  	[tilespmem:v2+s2+$0x0] =	vst.idx.msk $0xffff, v0  }
0x68: {  	v2 =	vld [tilespmem:s19+$0xFFFFFE40];
	_ =	sdelay $0x7  }
0x69: {  	[tilespmem:v2+s2+$0x0] =	vst.idx.msk $0xffff, v0  }
0x6a: {  	v2 =	vld [tilespmem:s19+$0xFFFFFE50];
	_ =	sdelay $0x7  }
0x6b: {  	[tilespmem:v2+s2+$0x0] =	vst.idx.msk $0xffff, v0  }
0x6c: {  	v2 =	vld [tilespmem:s19+$0xFFFFFE60];
	_ =	sdelay $0x7  }
0x6d: {  	[tilespmem:v2+s2+$0x0] =	vst.idx.msk $0xffff, v0  }
0x6e: {  	v2 =	vld [tilespmem:s19+$0xFFFFFE70];
	_ =	sdelay $0x7  }
0x6f: {  	[tilespmem:v2+s2+$0x0] =	vst.idx.msk $0xffff, v0  }
0x70: {  	v2 =	vld [tilespmem:s19+$0xFFFFFE80];
	_ =	sdelay $0x7  }
0x71: {  	[tilespmem:v2+s2+$0x0] =	vst.idx.msk $0xffff, v0  }
0x72: {  	v2 =	vld [tilespmem:s19+$0xFFFFFE90];
	_ =	sdelay $0x7  }
0x73: {  	[tilespmem:v2+s2+$0x0] =	vst.idx.msk $0xffff, v0  }
0x74: {  	v2 =	vld [tilespmem:s19+$0xFFFFFEA0];
	_ =	sdelay $0x7  }
0x75: {  	[tilespmem:v2+s2+$0x0] =	vst.idx.msk $0xffff, v0  }
0x76: {  	v2 =	vld [tilespmem:s19+$0xFFFFFEB0];
	_ =	sdelay $0x7  }
0x77: {  	[tilespmem:v2+s2+$0x0] =	vst.idx.msk $0xffff, v0  }
0x78: {  	v2 =	vld [tilespmem:s19+$0xFFFFFEC0];
	_ =	sdelay $0x7  }
0x79: {  	[tilespmem:v2+s2+$0x0] =	vst.idx.msk $0xffff, v0  }
0x7a: {  	v2 =	vld [tilespmem:s19+$0xFFFFFED0];
	_ =	sdelay $0x7  }
0x7b: {  	[tilespmem:v2+s2+$0x0] =	vst.idx.msk $0xffff, v0  }
0x7c: {  	v2 =	vld [tilespmem:s19+$0xFFFFFEE0];
	_ =	sdelay $0x7  }
0x7d: {  	[tilespmem:v2+s2+$0x0] =	vst.idx.msk $0xffff, v0  }
0x7e: {  	v2 =	vld [tilespmem:s19+$0xFFFFFEF0];
	_ =	sdelay $0x7  }
0x7f: {  	[tilespmem:v2+s2+$0x0] =	vst.idx.msk $0xffff, v0  }
0x80: {  	v2 =	vld [tilespmem:s19+$0x0];
	_ =	sdelay $0x7  }
0x81: {  	[tilespmem:v2+s2+$0x0] =	vst.idx.msk $0xffff, v1  }
0x82: {  	v2 =	vld [tilespmem:s19+$0x10];
	_ =	sdelay $0x7  }
0x83: {  	[tilespmem:v2+s2+$0x0] =	vst.idx.msk $0xffff, v1  }
0x84: {  	v2 =	vld [tilespmem:s19+$0x20];
	_ =	sdelay $0x7  }
0x85: {  	[tilespmem:v2+s2+$0x0] =	vst.idx.msk $0xffff, v1  }
0x86: {  	v2 =	vld [tilespmem:s19+$0x30];
	_ =	sdelay $0x7  }
0x87: {  	[tilespmem:v2+s2+$0x0] =	vst.idx.msk $0xffff, v1  }
0x88: {  	v2 =	vld [tilespmem:s19+$0x40];
	_ =	sdelay $0x7  }
0x89: {  	[tilespmem:v2+s2+$0x0] =	vst.idx.msk $0xffff, v1  }
0x8a: {  	v2 =	vld [tilespmem:s19+$0x50];
	_ =	sdelay $0x7  }
0x8b: {  	[tilespmem:v2+s2+$0x0] =	vst.idx.msk $0xffff, v1  }
0x8c: {  	v2 =	vld [tilespmem:s19+$0x60];
	_ =	sdelay $0x7  }
0x8d: {  	[tilespmem:v2+s2+$0x0] =	vst.idx.msk $0xffff, v1  }
0x8e: {  	v2 =	vld [tilespmem:s19+$0x70];
	_ =	sdelay $0x7  }
0x8f: {  	[tilespmem:v2+s2+$0x0] =	vst.idx.msk $0xffff, v1  }
0x90: {  	v2 =	vld [tilespmem:s19+$0x80];
	_ =	sdelay $0x7  }
0x91: {  	[tilespmem:v2+s2+$0x0] =	vst.idx.msk $0xffff, v1  }
0x92: {  	v2 =	vld [tilespmem:s19+$0x90];
	_ =	sdelay $0x7  }
0x93: {  	[tilespmem:v2+s2+$0x0] =	vst.idx.msk $0xffff, v1  }
0x94: {  	v2 =	vld [tilespmem:s19+$0xA0];
	_ =	sdelay $0x7  }
0x95: {  	[tilespmem:v2+s2+$0x0] =	vst.idx.msk $0xffff, v1  }
0x96: {  	v2 =	vld [tilespmem:s19+$0xB0];
	_ =	sdelay $0x7  }
0x97: {  	[tilespmem:v2+s2+$0x0] =	vst.idx.msk $0xffff, v1  }
0x98: {  	v2 =	vld [tilespmem:s19+$0xC0];
	_ =	sdelay $0x7  }
0x99: {  	[tilespmem:v2+s2+$0x0] =	vst.idx.msk $0xffff, v1  }
0x9a: {  	v2 =	vld [tilespmem:s19+$0xD0];
	_ =	sdelay $0x7  }
0x9b: {  	[tilespmem:v2+s2+$0x0] =	vst.idx.msk $0xffff, v1  }
0x9c: {  	v2 =	vld [tilespmem:s19+$0xE0];
	_ =	sdelay $0x7  }
0x9d: {  	[tilespmem:v2+s2+$0x0] =	vst.idx.msk $0xffff, v1  }
0x9e: {  	v2 =	vld [tilespmem:s19+$0xF0];
	_ =	sdelay $0x4  }
0x9f: {  	s20 =	sadd.s32 $0xFFFFFFF0, s18  }
0xa0: {  	s21 =	sand.u32 $0x38000, s17;
	s22 =	sand.u32 $0x60, s20  }
0xa1: {  	s29 =	sor.u32 s4, s21;
	s30 =	sadd.s32 s3, s22  }
0xa2: {  	s21 =	sadd.s32 s29, s30;
	[tilespmem:v2+s2+$0x0] =	vst.idx.msk $0xffff, v1  }
0xa3: {  	[hbm4b:s21+s11] =	stream.strided.scatter [tilespmem:s2], [sflag:$0x1], $0x8000, s12, s11, $0x38;
	[tilespmem:$0x14100] =	vst v63  }
0xa4: {  	_ =	swait.ge [sflag:s15], $0x8000  }
0xa5: {  	[sflag:s15] =	ssyncset.done $0x0  }
0xa6: {  	[sflag:s15] =	ssyncadd.s32 $0xFFFF8000  }
0xa7: {  	v2 =	vld [tilespmem:s19+$0xFFFFFF00];
	_ =	sdelay $0x7  }
0xa8: {  	[tilespmem:v2+s13+$0x0] =	vst.idx.msk $0xffff, v0  }
0xa9: {  	v2 =	vld [tilespmem:s19+$0xFFFFFF10];
	_ =	sdelay $0x7  }
0xaa: {  	[tilespmem:v2+s13+$0x0] =	vst.idx.msk $0xffff, v0  }
0xab: {  	v2 =	vld [tilespmem:s19+$0xFFFFFF20];
	_ =	sdelay $0x7  }
0xac: {  	[tilespmem:v2+s13+$0x0] =	vst.idx.msk $0xffff, v0  }
0xad: {  	v2 =	vld [tilespmem:s19+$0xFFFFFF30];
	_ =	sdelay $0x7  }
0xae: {  	[tilespmem:v2+s13+$0x0] =	vst.idx.msk $0xffff, v0  }
0xaf: {  	v2 =	vld [tilespmem:s19+$0xFFFFFF40];
	_ =	sdelay $0x7  }
0xb0: {  	[tilespmem:v2+s13+$0x0] =	vst.idx.msk $0xffff, v0  }
0xb1: {  	v2 =	vld [tilespmem:s19+$0xFFFFFF50];
	_ =	sdelay $0x7  }
0xb2: {  	[tilespmem:v2+s13+$0x0] =	vst.idx.msk $0xffff, v0  }
0xb3: {  	v2 =	vld [tilespmem:s19+$0xFFFFFF60];
	_ =	sdelay $0x7  }
0xb4: {  	[tilespmem:v2+s13+$0x0] =	vst.idx.msk $0xffff, v0  }
0xb5: {  	v2 =	vld [tilespmem:s19+$0xFFFFFF70];
	_ =	sdelay $0x7  }
0xb6: {  	[tilespmem:v2+s13+$0x0] =	vst.idx.msk $0xffff, v0  }
0xb7: {  	v2 =	vld [tilespmem:s19+$0xFFFFFF80];
	_ =	sdelay $0x7  }
0xb8: {  	[tilespmem:v2+s13+$0x0] =	vst.idx.msk $0xffff, v0  }
0xb9: {  	v2 =	vld [tilespmem:s19+$0xFFFFFF90];
	_ =	sdelay $0x7  }
0xba: {  	[tilespmem:v2+s13+$0x0] =	vst.idx.msk $0xffff, v0  }
0xbb: {  	v2 =	vld [tilespmem:s19+$0xFFFFFFA0];
	_ =	sdelay $0x7  }
0xbc: {  	[tilespmem:v2+s13+$0x0] =	vst.idx.msk $0xffff, v0  }
0xbd: {  	v2 =	vld [tilespmem:s19+$0xFFFFFFB0];
	_ =	sdelay $0x7  }
0xbe: {  	[tilespmem:v2+s13+$0x0] =	vst.idx.msk $0xffff, v0  }
0xbf: {  	v2 =	vld [tilespmem:s19+$0xFFFFFFC0];
	_ =	sdelay $0x7  }
0xc0: {  	[tilespmem:v2+s13+$0x0] =	vst.idx.msk $0xffff, v0  }
0xc1: {  	v2 =	vld [tilespmem:s19+$0xFFFFFFD0];
	_ =	sdelay $0x7  }
0xc2: {  	[tilespmem:v2+s13+$0x0] =	vst.idx.msk $0xffff, v0  }
0xc3: {  	v2 =	vld [tilespmem:s19+$0xFFFFFFE0];
	_ =	sdelay $0x7  }
0xc4: {  	[tilespmem:v2+s13+$0x0] =	vst.idx.msk $0xffff, v0  }
0xc5: {  	v2 =	vld [tilespmem:s19+$0xFFFFFFF0];
	_ =	sdelay $0x7  }
0xc6: {  	[tilespmem:v2+s13+$0x0] =	vst.idx.msk $0xffff, v0  }
0xc7: {  	v2 =	vld [tilespmem:s19+$0x100];
	_ =	sdelay $0x7  }
0xc8: {  	[tilespmem:v2+s13+$0x0] =	vst.idx.msk $0xffff, v1  }
0xc9: {  	v2 =	vld [tilespmem:s19+$0x110];
	_ =	sdelay $0x7  }
0xca: {  	[tilespmem:v2+s13+$0x0] =	vst.idx.msk $0xffff, v1  }
0xcb: {  	v2 =	vld [tilespmem:s19+$0x120];
	_ =	sdelay $0x7  }
0xcc: {  	[tilespmem:v2+s13+$0x0] =	vst.idx.msk $0xffff, v1  }
0xcd: {  	v2 =	vld [tilespmem:s19+$0x130];
	_ =	sdelay $0x7  }
0xce: {  	[tilespmem:v2+s13+$0x0] =	vst.idx.msk $0xffff, v1  }
0xcf: {  	v2 =	vld [tilespmem:s19+$0x140];
	_ =	sdelay $0x7  }
0xd0: {  	[tilespmem:v2+s13+$0x0] =	vst.idx.msk $0xffff, v1  }
0xd1: {  	v2 =	vld [tilespmem:s19+$0x150];
	_ =	sdelay $0x7  }
0xd2: {  	[tilespmem:v2+s13+$0x0] =	vst.idx.msk $0xffff, v1  }
0xd3: {  	v2 =	vld [tilespmem:s19+$0x160];
	_ =	sdelay $0x7  }
0xd4: {  	[tilespmem:v2+s13+$0x0] =	vst.idx.msk $0xffff, v1  }
0xd5: {  	v2 =	vld [tilespmem:s19+$0x170];
	_ =	sdelay $0x7  }
0xd6: {  	[tilespmem:v2+s13+$0x0] =	vst.idx.msk $0xffff, v1  }
0xd7: {  	v2 =	vld [tilespmem:s19+$0x180];
	_ =	sdelay $0x7  }
0xd8: {  	[tilespmem:v2+s13+$0x0] =	vst.idx.msk $0xffff, v1  }
0xd9: {  	v2 =	vld [tilespmem:s19+$0x190];
	_ =	sdelay $0x7  }
0xda: {  	[tilespmem:v2+s13+$0x0] =	vst.idx.msk $0xffff, v1  }
0xdb: {  	v2 =	vld [tilespmem:s19+$0x1A0];
	_ =	sdelay $0x7  }
0xdc: {  	[tilespmem:v2+s13+$0x0] =	vst.idx.msk $0xffff, v1  }
0xdd: {  	v2 =	vld [tilespmem:s19+$0x1B0];
	_ =	sdelay $0x7  }
0xde: {  	[tilespmem:v2+s13+$0x0] =	vst.idx.msk $0xffff, v1  }
0xdf: {  	v2 =	vld [tilespmem:s19+$0x1C0];
	_ =	sdelay $0x7  }
0xe0: {  	[tilespmem:v2+s13+$0x0] =	vst.idx.msk $0xffff, v1  }
0xe1: {  	v2 =	vld [tilespmem:s19+$0x1D0];
	_ =	sdelay $0x7  }
0xe2: {  	[tilespmem:v2+s13+$0x0] =	vst.idx.msk $0xffff, v1  }
0xe3: {  	v2 =	vld [tilespmem:s19+$0x1E0];
	_ =	sdelay $0x7  }
0xe4: {  	[tilespmem:v2+s13+$0x0] =	vst.idx.msk $0xffff, v1  }
0xe5: {  	v2 =	vld [tilespmem:s19+$0x1F0];
	_ =	sdelay $0x3  }
0xe6: {  	p0 =	sne.s32 s17, $0x3E000  }
.Ltmp2:
0xe7: {  	_ = 	snop;
	(pc) =	sbr.rel @p0 .LBB2_6-.Ltmp2, $4  }
0xe8: {  	_ = 	snop  }
0xe9: {  	s31 =	sand.u32 $0x70, s18;
	s18 =	sadd.s32 $0x20, s18;
	s20 =	sadd.s32 s3, s29  }
0xea: {  	s17 =	sadd.s32 $0x2000, s17;
	s20 =	sadd.s32 s31, s20;
	s19 =	sadd.s32 $0x200, s19;
	[tilespmem:v2+s13+$0x0] =	vst.idx.msk $0xffff, v1  }
0xeb: {  	[hbm4b:s20+s11] =	stream.strided.scatter [tilespmem:s13], [sflag:$0x2], $0x8000, s12, s11, $0x38;
	[tilespmem:$0x14100] =	vst v63  }
0xec: {  	s16 =	sadd.s32 $0x1, s16  }
0xed: {  	_ =	swait.ge [sflag:s14], $0x8000;
	p0 =	sne.s32 s16, s8  }
.Ltmp3:
0xee: {  	[sflag:s14] =	ssyncset.done $0x0;
	(pc) =	sbr.rel @p0 .LBB2_1-.Ltmp3, $4  }
0xef: {  	[sflag:s14] =	ssyncadd.s32 $0xFFFF8000  }
0xf0: {  	_ =	swait.ge [sflag:s15], $0x8000  }
0xf1: {  	[sflag:s15] =	ssyncset.done $0x0  }
0xf2: {  	[sflag:s15] =	ssyncadd.s32 $0xFFFF8000  }
0xf3: {  	_ =	sfence.sel $0x180000  }
0xf4: {  	[bflag:$0x0] =	sbarrier.arrive $0xFFFF  }
0xf5: {  	p0 =	sne.s32 s1, $0x0;
	_ =	strace $0x90000047  }
0xf6: {  	s0 =	sadd.s32 @!p0 $0x100000, s0;
	[bflag:$0x2] =	sbarrier.arrive $0xFFFF  }
0xf7: {  	[sflag:s0] =	ssyncadd.tile.s32 @!p0 $0x1;
	_ =	shalt  }
.Lfunc_end2:
_tile_overlayer_lowered:
.L_overlay_start_2:
0xf8: {  	(tag) =	ssettag $0x2  }
0xf9: {  	s0 =	rddreg [dreg:$0x0];
	s2 =	stileid.u32  }
0xfa: {  	s1 =	rddreg [dreg:$0x1];
	p0 =	sne.s32 s2, $0x0  }
0xfb: {  	s3 =	rddreg [dreg:$0x2];
	[bflag:$0x3] =	sbarrier.arrive $0xFFFF;
	s2 =	simm.s32 @!p0 $0x1C03  }
0xfc: {  	[timem:s3], [sflag:s2] =	dma.local @!p0 [hbm:s0], s1  }
0xfd: {  	s0 =	simm.s32 @!p0 $0x3  }
0xfe: {  	_ =	swait.ge @!p0 [sflag:s0], s1  }
0xff: {  	s1 =	ssub.s32 @!p0 $0x0, s1;
	[sflag:s0] =	ssyncset.done @!p0 $0x0  }
0x100: {  	[sflag:s0] =	ssyncadd.s32 @!p0 s1  }
0x101: {  	[bflag:$0x3] =	sbarrier.arrive $0xFFFF  }
0x102: {  	_ =	shalt  }

</sc_bundles>
